<compile_context>
chip_gen: v7x
topology: tpu7x:2x2x1
jax: 0.10.2.dev20260603
libtpu: 0.0.44.dev20260713+nightly
codegen_flags: <defaults>
</compile_context>

<pallas_src>
import functools
import math

import jax
import jax.numpy as jnp
from jax import lax
from jax.experimental import pallas as pl
from jax.experimental.pallas import tpu as pltpu
from jax.experimental.pallas import tpu_sc as plsc

D_MODEL = 1024
SCALE = math.sqrt(D_MODEL)
LANES = 16
NC, NS = 2, 16
NW = NC * NS
CHUNK = 16
NBUF = 6
PREF = 3


@functools.lru_cache(maxsize=None)
def _build(B: int):
    b_per_w = B // NW
    nch = b_per_w // CHUNK
    mesh = plsc.VectorSubcoreMesh(core_axis_name="c", subcore_axis_name="s")

    @functools.partial(
        pl.kernel,
        mesh=mesh,
        out_type=jax.ShapeDtypeStruct((B, D_MODEL), jnp.float32),
        scratch_types=[
            pltpu.VMEM((nch, CHUNK), jnp.int32),
            pltpu.VMEM((NBUF, CHUNK, D_MODEL), jnp.float32),
            pltpu.SemaphoreType.DMA((NBUF,)),
            pltpu.SemaphoreType.DMA((NBUF,)),
        ],
    )
    def emb(idx_hbm, table_hbm, out_hbm, idx_v, rows_v, gsem, ssem):
        wid = lax.axis_index("s") * NC + lax.axis_index("c")
        base = wid * b_per_w
        pltpu.sync_copy(idx_hbm.at[wid], idx_v)

        def gather(g, b):
            return pltpu.make_async_copy(
                table_hbm.at[idx_v.at[g]], rows_v.at[b], gsem.at[b])

        def scatter(g, b):
            return pltpu.make_async_copy(
                rows_v.at[b], out_hbm.at[pl.ds(base + g * CHUNK, CHUNK)],
                ssem.at[b])

        def scale(b):
            @plsc.parallel_loop(0, CHUNK, unroll=2)
            def _rows(r):
                for k in range(D_MODEL // LANES):
                    sl = pl.ds(k * LANES, LANES)
                    rows_v[b, r, sl] = rows_v[b, r, sl] * SCALE

        for g in range(PREF):
            gather(g, g).start()

        def chunk_body(g, carry):
            b = g % NBUF
            gather(g, b).wait()
            scale(b)
            scatter(g, b).start()

            @pl.when(g + PREF < nch)
            def _prefetch():
                @pl.when(g + PREF >= NBUF)
                def _reuse():
                    scatter(g + PREF - NBUF, (g + PREF) % NBUF).wait()

                gather(g + PREF, (g + PREF) % NBUF).start()

            return carry

        lax.fori_loop(0, nch, chunk_body, 0)
        for g in range(max(0, nch - NBUF), nch):
            scatter(g, g % NBUF).wait()

    return emb


@jax.jit
def kernel(x, table):
    Bt, S = x.shape
    B = Bt * S
    idx = x.reshape(NW, (B // NW) // CHUNK, CHUNK)
    out = _build(B)(idx, table)
    return out.reshape(Bt, S, D_MODEL)

# --- scband reference (transcript-rebuilt; emitter-appended) ---
"""Pipeline reference for scband-word-embedding-32847909879964 (READ-ONLY COPY).

The authoritative reference and input builder live on the scoring server;
editing this copy changes nothing except your own understanding.
"""

import jax, jax.numpy as jnp
import numpy as np
import math

D_MODEL = 1024
VOCAB = 100000

def setup_inputs(seed: int = 0) -> dict:
    key = jax.random.key(seed)
    k1, k2 = jax.random.split(key)
    x = jax.random.randint(k1, (4, 4096), 0, VOCAB, dtype=jnp.int64 if jax.config.jax_enable_x64 else jnp.int32).astype(jnp.int32)
    table = jax.random.normal(k2, (VOCAB, D_MODEL), dtype=jnp.float32)
    return {"x": x, "table": table}

def reference(x, table):
    # embedding lookup followed by sqrt(d_model) scaling, as in the torch module
    emb = jnp.take(table, x, axis=0)  # (B, S, D)
    return emb * math.sqrt(D_MODEL)

if __name__ == "__main__":
    import jax
    _d = setup_inputs()
    print(jax.jit(kernel)(*tuple(_d.values())))

</pallas_src>

<mosaic_0001>
#map = affine_map<(d0, d1) -> (0, 0, 0)>
#map1 = affine_map<(d0, d1) -> (0, 0)>
module attributes {stable_mosaic.version = 14 : i64} {
  func.func @emb(%arg0: i32, %arg1: i32, %arg2: memref<32x32x16xi32, #tpu.memory_space<hbm>>, %arg3: memref<100000x1024xf32, #tpu.memory_space<hbm>>, %arg4: memref<16384x1024xf32, #tpu.memory_space<hbm>>, %arg5: memref<32x16xi32, #tpu.memory_space<vmem>>, %arg6: memref<6x16x1024xf32, #tpu.memory_space<vmem>>, %arg7: memref<6x!tpu.dma_semaphore, #tpu.memory_space<semaphore_mem>>, %arg8: memref<6x!tpu.dma_semaphore, #tpu.memory_space<semaphore_mem>>) attributes {dimension_semantics = [#tpu.dimension_semantics<core_parallel>, #tpu.dimension_semantics<subcore_parallel>], iteration_bounds = array<i64: 2, 16>, scalar_prefetch = 0 : i64, scratch_operands = 4 : i64, tpu.core_type = #tpu.core_type<sc_vector_subcore>, window_params = [{transform_indices = #map}, {transform_indices = #map1}, {transform_indices = #map1}]} {
    %mul3A = arith.constant 2 : i32
    %mul3A_0 = arith.muli %arg1, %mul3A : i32
    %add3A = arith.addi %mul3A_0, %arg0 : i32
    %mul3A_1 = arith.constant 512 : i32
    %mul3A_2 = arith.muli %add3A, %mul3A_1 : i32
    "tpu.region"() ({
      %run_scoped3A = tpu.sem_alloc : memref<!tpu.dma_semaphore, #tpu.memory_space<semaphore_mem>>
      %dma_start3A_159 = arith.constant 0 : i32
      %dma_start3A_160 = arith.constant 0 : i32
      %dma_start3A_161 = tpu.memref_slice %arg2[%add3A, %dma_start3A_159, %dma_start3A_160] : memref<32x32x16xi32, #tpu.memory_space<hbm>> -> memref<1x32x16xi32, #tpu.memory_space<hbm>>
      %dma_start3A_162 = tpu.memref_squeeze %dma_start3A_161 : memref<1x32x16xi32, #tpu.memory_space<hbm>> -> memref<32x16xi32, #tpu.memory_space<hbm>>
      %dma_start3A_163 = arith.constant 0 : i32
      %dma_start3A_164 = arith.constant 0 : i32
      %dma_start3A_165 = tpu.memref_slice %arg2[%add3A, %dma_start3A_163, %dma_start3A_164] : memref<32x32x16xi32, #tpu.memory_space<hbm>> -> memref<1x32x16xi32, #tpu.memory_space<hbm>>
      %dma_start3A_166 = tpu.memref_squeeze %dma_start3A_165 : memref<1x32x16xi32, #tpu.memory_space<hbm>> -> memref<32x16xi32, #tpu.memory_space<hbm>>
      tpu.enqueue_dma source(%dma_start3A_166 : memref<32x16xi32, #tpu.memory_space<hbm>>) target(%arg5 : memref<32x16xi32, #tpu.memory_space<vmem>>) target_semaphore(%run_scoped3A : memref<!tpu.dma_semaphore, #tpu.memory_space<semaphore_mem>>)
      %dma_wait3A_167 = arith.constant 0 : i32
      %dma_wait3A_168 = arith.constant 0 : i32
      %dma_wait3A_169 = tpu.memref_slice %arg2[%add3A, %dma_wait3A_167, %dma_wait3A_168] : memref<32x32x16xi32, #tpu.memory_space<hbm>> -> memref<1x32x16xi32, #tpu.memory_space<hbm>>
      %dma_wait3A_170 = tpu.memref_squeeze %dma_wait3A_169 : memref<1x32x16xi32, #tpu.memory_space<hbm>> -> memref<32x16xi32, #tpu.memory_space<hbm>>
      %dma_wait3A_171 = arith.constant 0 : i32
      %dma_wait3A_172 = arith.constant 0 : i32
      %dma_wait3A_173 = tpu.memref_slice %arg2[%add3A, %dma_wait3A_171, %dma_wait3A_172] : memref<32x32x16xi32, #tpu.memory_space<hbm>> -> memref<1x32x16xi32, #tpu.memory_space<hbm>>
      %dma_wait3A_174 = tpu.memref_squeeze %dma_wait3A_173 : memref<1x32x16xi32, #tpu.memory_space<hbm>> -> memref<32x16xi32, #tpu.memory_space<hbm>>
      tpu.wait_dma2 semaphore(%run_scoped3A : memref<!tpu.dma_semaphore, #tpu.memory_space<semaphore_mem>>) src(%dma_wait3A_174 : memref<32x16xi32, #tpu.memory_space<hbm>>) dst(%arg5 : memref<32x16xi32, #tpu.memory_space<vmem>>)
      tpu.yield
    }) : () -> ()
    %dma_start3A = arith.constant 0 : i32
    %dma_start3A_3 = arith.constant 0 : i32
    %dma_start3A_4 = arith.constant 0 : i32
    %dma_start3A_5 = arith.constant 0 : i32
    %dma_start3A_6 = arith.constant 0 : i32
    %dma_start3A_7 = tpu.memref_slice %arg6[%dma_start3A_3, %dma_start3A_5, %dma_start3A_6] : memref<6x16x1024xf32, #tpu.memory_space<vmem>> -> memref<1x16x1024xf32, #tpu.memory_space<vmem>>
    %dma_start3A_8 = tpu.memref_squeeze %dma_start3A_7 : memref<1x16x1024xf32, #tpu.memory_space<vmem>> -> memref<16x1024xf32, #tpu.memory_space<vmem>>
    %dma_start3A_9 = arith.constant 0 : i32
    %dma_start3A_10 = tpu.memref_slice %arg5[%dma_start3A, %dma_start3A_9] : memref<32x16xi32, #tpu.memory_space<vmem>> -> memref<1x16xi32, #tpu.memory_space<vmem>>
    %dma_start3A_11 = tpu.memref_squeeze %dma_start3A_10 : memref<1x16xi32, #tpu.memory_space<vmem>> -> memref<16xi32, #tpu.memory_space<vmem>>
    %dma_start3A_12 = arith.constant 0 : i32
    %dma_start3A_13 = arith.constant 0 : i32
    %dma_start3A_14 = tpu.memref_slice %arg3[%dma_start3A_12, %dma_start3A_13] : memref<100000x1024xf32, #tpu.memory_space<hbm>> -> memref<100000x1024xf32, #tpu.memory_space<hbm>>
    %dma_start3A_15 = tpu.memref_slice %arg7[%dma_start3A_4] : memref<6x!tpu.dma_semaphore, #tpu.memory_space<semaphore_mem>> -> memref<1x!tpu.dma_semaphore, #tpu.memory_space<semaphore_mem>>
    %dma_start3A_16 = tpu.memref_squeeze %dma_start3A_15 : memref<1x!tpu.dma_semaphore, #tpu.memory_space<semaphore_mem>> -> memref<!tpu.dma_semaphore, #tpu.memory_space<semaphore_mem>>
    tpu.enqueue_indirect_dma source(%dma_start3A_14 : memref<100000x1024xf32, #tpu.memory_space<hbm>>) target(%dma_start3A_8 : memref<16x1024xf32, #tpu.memory_space<vmem>>) offsets(%dma_start3A_11 : memref<16xi32, #tpu.memory_space<vmem>>) semaphore(%dma_start3A_16 : memref<!tpu.dma_semaphore, #tpu.memory_space<semaphore_mem>>)
    %dma_start3A_17 = arith.constant 1 : i32
    %dma_start3A_18 = arith.constant 1 : i32
    %dma_start3A_19 = arith.constant 1 : i32
    %dma_start3A_20 = arith.constant 0 : i32
    %dma_start3A_21 = arith.constant 0 : i32
    %dma_start3A_22 = tpu.memref_slice %arg6[%dma_start3A_18, %dma_start3A_20, %dma_start3A_21] : memref<6x16x1024xf32, #tpu.memory_space<vmem>> -> memref<1x16x1024xf32, #tpu.memory_space<vmem>>
    %dma_start3A_23 = tpu.memref_squeeze %dma_start3A_22 : memref<1x16x1024xf32, #tpu.memory_space<vmem>> -> memref<16x1024xf32, #tpu.memory_space<vmem>>
    %dma_start3A_24 = arith.constant 0 : i32
    %dma_start3A_25 = tpu.memref_slice %arg5[%dma_start3A_17, %dma_start3A_24] : memref<32x16xi32, #tpu.memory_space<vmem>> -> memref<1x16xi32, #tpu.memory_space<vmem>>
    %dma_start3A_26 = tpu.memref_squeeze %dma_start3A_25 : memref<1x16xi32, #tpu.memory_space<vmem>> -> memref<16xi32, #tpu.memory_space<vmem>>
    %dma_start3A_27 = arith.constant 0 : i32
    %dma_start3A_28 = arith.constant 0 : i32
    %dma_start3A_29 = tpu.memref_slice %arg3[%dma_start3A_27, %dma_start3A_28] : memref<100000x1024xf32, #tpu.memory_space<hbm>> -> memref<100000x1024xf32, #tpu.memory_space<hbm>>
    %dma_start3A_30 = tpu.memref_slice %arg7[%dma_start3A_19] : memref<6x!tpu.dma_semaphore, #tpu.memory_space<semaphore_mem>> -> memref<1x!tpu.dma_semaphore, #tpu.memory_space<semaphore_mem>>
    %dma_start3A_31 = tpu.memref_squeeze %dma_start3A_30 : memref<1x!tpu.dma_semaphore, #tpu.memory_space<semaphore_mem>> -> memref<!tpu.dma_semaphore, #tpu.memory_space<semaphore_mem>>
    tpu.enqueue_indirect_dma source(%dma_start3A_29 : memref<100000x1024xf32, #tpu.memory_space<hbm>>) target(%dma_start3A_23 : memref<16x1024xf32, #tpu.memory_space<vmem>>) offsets(%dma_start3A_26 : memref<16xi32, #tpu.memory_space<vmem>>) semaphore(%dma_start3A_31 : memref<!tpu.dma_semaphore, #tpu.memory_space<semaphore_mem>>)
    %dma_start3A_32 = arith.constant 2 : i32
    %dma_start3A_33 = arith.constant 2 : i32
    %dma_start3A_34 = arith.constant 2 : i32
    %dma_start3A_35 = arith.constant 0 : i32
    %dma_start3A_36 = arith.constant 0 : i32
    %dma_start3A_37 = tpu.memref_slice %arg6[%dma_start3A_33, %dma_start3A_35, %dma_start3A_36] : memref<6x16x1024xf32, #tpu.memory_space<vmem>> -> memref<1x16x1024xf32, #tpu.memory_space<vmem>>
    %dma_start3A_38 = tpu.memref_squeeze %dma_start3A_37 : memref<1x16x1024xf32, #tpu.memory_space<vmem>> -> memref<16x1024xf32, #tpu.memory_space<vmem>>
    %dma_start3A_39 = arith.constant 0 : i32
    %dma_start3A_40 = tpu.memref_slice %arg5[%dma_start3A_32, %dma_start3A_39] : memref<32x16xi32, #tpu.memory_space<vmem>> -> memref<1x16xi32, #tpu.memory_space<vmem>>
    %dma_start3A_41 = tpu.memref_squeeze %dma_start3A_40 : memref<1x16xi32, #tpu.memory_space<vmem>> -> memref<16xi32, #tpu.memory_space<vmem>>
    %dma_start3A_42 = arith.constant 0 : i32
    %dma_start3A_43 = arith.constant 0 : i32
    %dma_start3A_44 = tpu.memref_slice %arg3[%dma_start3A_42, %dma_start3A_43] : memref<100000x1024xf32, #tpu.memory_space<hbm>> -> memref<100000x1024xf32, #tpu.memory_space<hbm>>
    %dma_start3A_45 = tpu.memref_slice %arg7[%dma_start3A_34] : memref<6x!tpu.dma_semaphore, #tpu.memory_space<semaphore_mem>> -> memref<1x!tpu.dma_semaphore, #tpu.memory_space<semaphore_mem>>
    %dma_start3A_46 = tpu.memref_squeeze %dma_start3A_45 : memref<1x!tpu.dma_semaphore, #tpu.memory_space<semaphore_mem>> -> memref<!tpu.dma_semaphore, #tpu.memory_space<semaphore_mem>>
    tpu.enqueue_indirect_dma source(%dma_start3A_44 : memref<100000x1024xf32, #tpu.memory_space<hbm>>) target(%dma_start3A_38 : memref<16x1024xf32, #tpu.memory_space<vmem>>) offsets(%dma_start3A_41 : memref<16xi32, #tpu.memory_space<vmem>>) semaphore(%dma_start3A_46 : memref<!tpu.dma_semaphore, #tpu.memory_space<semaphore_mem>>)
    %scan3A = arith.constant 0 : i32
    %scan3A_47 = arith.constant 0 : i32
    %scan3A_48 = arith.constant 32 : i32
    %scan3A_49 = arith.addi %scan3A_47, %scan3A_48 : i32
    %scan3A_50 = arith.constant 1 : i32
    scf.for %scan3A_159 = %scan3A_47 to %scan3A_49 step %scan3A_50  : i32 {
      %jit3A = arith.constant 6 : i32
      %eq3A = arith.constant 0 : i32
      %eq3A_160 = arith.cmpi eq, %jit3A, %eq3A : i32
      %jit3A_161 = arith.constant 1 : i32
      %select_n3A = arith.select %eq3A_160, %jit3A_161, %jit3A : i32
      %rem3A = arith.remsi %scan3A_159, %select_n3A : i32
      %ne3A = arith.constant 0 : i32
      %ne3A_162 = arith.cmpi ne, %rem3A, %ne3A : i32
      %lt3A = arith.constant 0 : i32
      %lt3A_163 = arith.cmpi slt, %rem3A, %lt3A : i32
      %lt3A_164 = arith.constant 0 : i32
      %lt3A_165 = arith.cmpi slt, %select_n3A, %lt3A_164 : i32
      %ne3A_166 = arith.xori %lt3A_163, %lt3A_165 : i1
      %and3A = arith.andi %ne3A_166, %ne3A_162 : i1
      %add3A_167 = arith.addi %rem3A, %select_n3A : i32
      %select_n3A_168 = arith.select %and3A, %add3A_167, %rem3A : i32
      %dma_wait3A_169 = arith.constant 0 : i32
      %dma_wait3A_170 = arith.constant 0 : i32
      %dma_wait3A_171 = tpu.memref_slice %arg6[%select_n3A_168, %dma_wait3A_169, %dma_wait3A_170] : memref<6x16x1024xf32, #tpu.memory_space<vmem>> -> memref<1x16x1024xf32, #tpu.memory_space<vmem>>
      %dma_wait3A_172 = tpu.memref_squeeze %dma_wait3A_171 : memref<1x16x1024xf32, #tpu.memory_space<vmem>> -> memref<16x1024xf32, #tpu.memory_space<vmem>>
      %dma_wait3A_173 = arith.constant 0 : i32
      %dma_wait3A_174 = tpu.memref_slice %arg5[%scan3A_159, %dma_wait3A_173] : memref<32x16xi32, #tpu.memory_space<vmem>> -> memref<1x16xi32, #tpu.memory_space<vmem>>
      %dma_wait3A_175 = tpu.memref_squeeze %dma_wait3A_174 : memref<1x16xi32, #tpu.memory_space<vmem>> -> memref<16xi32, #tpu.memory_space<vmem>>
      %dma_wait3A_176 = arith.constant 0 : i32
      %dma_wait3A_177 = arith.constant 0 : i32
      %dma_wait3A_178 = tpu.memref_slice %arg3[%dma_wait3A_176, %dma_wait3A_177] : memref<100000x1024xf32, #tpu.memory_space<hbm>> -> memref<100000x1024xf32, #tpu.memory_space<hbm>>
      %dma_wait3A_179 = tpu.memref_slice %arg7[%select_n3A_168] : memref<6x!tpu.dma_semaphore, #tpu.memory_space<semaphore_mem>> -> memref<1x!tpu.dma_semaphore, #tpu.memory_space<semaphore_mem>>
      %dma_wait3A_180 = tpu.memref_squeeze %dma_wait3A_179 : memref<1x!tpu.dma_semaphore, #tpu.memory_space<semaphore_mem>> -> memref<!tpu.dma_semaphore, #tpu.memory_space<semaphore_mem>>
      tpu.wait_indirect_dma semaphore(%dma_wait3A_180 : memref<!tpu.dma_semaphore, #tpu.memory_space<semaphore_mem>>) src(%dma_wait3A_178 : memref<100000x1024xf32, #tpu.memory_space<hbm>>) dst(%dma_wait3A_172 : memref<16x1024xf32, #tpu.memory_space<vmem>>)
      %parallel_loop3A = arith.constant 0 : i32
      %parallel_loop3A_181 = arith.constant 16 : i32
      %parallel_loop3A_182 = arith.constant 1 : i32
      scf.for %parallel_loop3A_205 = %parallel_loop3A to %parallel_loop3A_181 step %parallel_loop3A_182  : i32 {
        %parallel_loop3A_206 = arith.index_cast %select_n3A_168 : i32 to index
        %parallel_loop3A_207 = arith.index_cast %parallel_loop3A_205 : i32 to index
        %parallel_loop3A_208 = arith.constant 0 : index
        %parallel_loop3A_209 = tpu.vector_load %arg6[%parallel_loop3A_206, %parallel_loop3A_207, %parallel_loop3A_208] {strides = array<i32>} : memref<6x16x1024xf32, #tpu.memory_space<vmem>>, vector<1x1x16xf32>,
        %parallel_loop3A_210 = vector.shape_cast %parallel_loop3A_209 : vector<1x1x16xf32> to vector<16xf32>
        %parallel_loop3A_211 = arith.constant 3.200000e+01 : f32
        %parallel_loop3A_212 = vector.broadcast %parallel_loop3A_211 : f32 to vector<16xf32>
        %parallel_loop3A_213 = arith.mulf %parallel_loop3A_210, %parallel_loop3A_212 : vector<16xf32>
        %parallel_loop3A_214 = arith.index_cast %select_n3A_168 : i32 to index
        %parallel_loop3A_215 = arith.index_cast %parallel_loop3A_205 : i32 to index
        %parallel_loop3A_216 = arith.constant 0 : index
        %parallel_loop3A_217 = tpu.vector_load %arg6[%parallel_loop3A_214, %parallel_loop3A_215, %parallel_loop3A_216] {strides = array<i32>} : memref<6x16x1024xf32, #tpu.memory_space<vmem>>, vector<1x1x16xf32>,
        %parallel_loop3A_218 = vector.shape_cast %parallel_loop3A_217 : vector<1x1x16xf32> to vector<16xf32>
        %parallel_loop3A_219 = vector.shape_cast %parallel_loop3A_213 : vector<16xf32> to vector<1x1x16xf32>
        tpu.vector_store %arg6[%parallel_loop3A_214, %parallel_loop3A_215, %parallel_loop3A_216], %parallel_loop3A_219 {strides = array<i32>} : memref<6x16x1024xf32, #tpu.memory_space<vmem>>, vector<1x1x16xf32>,
        %parallel_loop3A_220 = arith.index_cast %select_n3A_168 : i32 to index
        %parallel_loop3A_221 = arith.index_cast %parallel_loop3A_205 : i32 to index
        %parallel_loop3A_222 = arith.constant 16 : index
        %parallel_loop3A_223 = tpu.vector_load %arg6[%parallel_loop3A_220, %parallel_loop3A_221, %parallel_loop3A_222] {strides = array<i32>} : memref<6x16x1024xf32, #tpu.memory_space<vmem>>, vector<1x1x16xf32>,
        %parallel_loop3A_224 = vector.shape_cast %parallel_loop3A_223 : vector<1x1x16xf32> to vector<16xf32>
        %parallel_loop3A_225 = arith.constant 3.200000e+01 : f32
        %parallel_loop3A_226 = vector.broadcast %parallel_loop3A_225 : f32 to vector<16xf32>
        %parallel_loop3A_227 = arith.mulf %parallel_loop3A_224, %parallel_loop3A_226 : vector<16xf32>
        %parallel_loop3A_228 = arith.index_cast %select_n3A_168 : i32 to index
        %parallel_loop3A_229 = arith.index_cast %parallel_loop3A_205 : i32 to index
        %parallel_loop3A_230 = arith.constant 16 : index
        %parallel_loop3A_231 = tpu.vector_load %arg6[%parallel_loop3A_228, %parallel_loop3A_229, %parallel_loop3A_230] {strides = array<i32>} : memref<6x16x1024xf32, #tpu.memory_space<vmem>>, vector<1x1x16xf32>,
        %parallel_loop3A_232 = vector.shape_cast %parallel_loop3A_231 : vector<1x1x16xf32> to vector<16xf32>
        %parallel_loop3A_233 = vector.shape_cast %parallel_loop3A_227 : vector<16xf32> to vector<1x1x16xf32>
        tpu.vector_store %arg6[%parallel_loop3A_228, %parallel_loop3A_229, %parallel_loop3A_230], %parallel_loop3A_233 {strides = array<i32>} : memref<6x16x1024xf32, #tpu.memory_space<vmem>>, vector<1x1x16xf32>,
        %parallel_loop3A_234 = arith.index_cast %select_n3A_168 : i32 to index
        %parallel_loop3A_235 = arith.index_cast %parallel_loop3A_205 : i32 to index
        %parallel_loop3A_236 = arith.constant 32 : index
        %parallel_loop3A_237 = tpu.vector_load %arg6[%parallel_loop3A_234, %parallel_loop3A_235, %parallel_loop3A_236] {strides = array<i32>} : memref<6x16x1024xf32, #tpu.memory_space<vmem>>, vector<1x1x16xf32>,
        %parallel_loop3A_238 = vector.shape_cast %parallel_loop3A_237 : vector<1x1x16xf32> to vector<16xf32>
        %parallel_loop3A_239 = arith.constant 3.200000e+01 : f32
        %parallel_loop3A_240 = vector.broadcast %parallel_loop3A_239 : f32 to vector<16xf32>
        %parallel_loop3A_241 = arith.mulf %parallel_loop3A_238, %parallel_loop3A_240 : vector<16xf32>
        %parallel_loop3A_242 = arith.index_cast %select_n3A_168 : i32 to index
        %parallel_loop3A_243 = arith.index_cast %parallel_loop3A_205 : i32 to index
        %parallel_loop3A_244 = arith.constant 32 : index
        %parallel_loop3A_245 = tpu.vector_load %arg6[%parallel_loop3A_242, %parallel_loop3A_243, %parallel_loop3A_244] {strides = array<i32>} : memref<6x16x1024xf32, #tpu.memory_space<vmem>>, vector<1x1x16xf32>,
        %parallel_loop3A_246 = vector.shape_cast %parallel_loop3A_245 : vector<1x1x16xf32> to vector<16xf32>
        %parallel_loop3A_247 = vector.shape_cast %parallel_loop3A_241 : vector<16xf32> to vector<1x1x16xf32>
        tpu.vector_store %arg6[%parallel_loop3A_242, %parallel_loop3A_243, %parallel_loop3A_244], %parallel_loop3A_247 {strides = array<i32>} : memref<6x16x1024xf32, #tpu.memory_space<vmem>>, vector<1x1x16xf32>,
        %parallel_loop3A_248 = arith.index_cast %select_n3A_168 : i32 to index
        %parallel_loop3A_249 = arith.index_cast %parallel_loop3A_205 : i32 to index
        %parallel_loop3A_250 = arith.constant 48 : index
        %parallel_loop3A_251 = tpu.vector_load %arg6[%parallel_loop3A_248, %parallel_loop3A_249, %parallel_loop3A_250] {strides = array<i32>} : memref<6x16x1024xf32, #tpu.memory_space<vmem>>, vector<1x1x16xf32>,
        %parallel_loop3A_252 = vector.shape_cast %parallel_loop3A_251 : vector<1x1x16xf32> to vector<16xf32>
        %parallel_loop3A_253 = arith.constant 3.200000e+01 : f32
        %parallel_loop3A_254 = vector.broadcast %parallel_loop3A_253 : f32 to vector<16xf32>
        %parallel_loop3A_255 = arith.mulf %parallel_loop3A_252, %parallel_loop3A_254 : vector<16xf32>
        %parallel_loop3A_256 = arith.index_cast %select_n3A_168 : i32 to index
        %parallel_loop3A_257 = arith.index_cast %parallel_loop3A_205 : i32 to index
        %parallel_loop3A_258 = arith.constant 48 : index
        %parallel_loop3A_259 = tpu.vector_load %arg6[%parallel_loop3A_256, %parallel_loop3A_257, %parallel_loop3A_258] {strides = array<i32>} : memref<6x16x1024xf32, #tpu.memory_space<vmem>>, vector<1x1x16xf32>,
        %parallel_loop3A_260 = vector.shape_cast %parallel_loop3A_259 : vector<1x1x16xf32> to vector<16xf32>
        %parallel_loop3A_261 = vector.shape_cast %parallel_loop3A_255 : vector<16xf32> to vector<1x1x16xf32>
        tpu.vector_store %arg6[%parallel_loop3A_256, %parallel_loop3A_257, %parallel_loop3A_258], %parallel_loop3A_261 {strides = array<i32>} : memref<6x16x1024xf32, #tpu.memory_space<vmem>>, vector<1x1x16xf32>,
        %parallel_loop3A_262 = arith.index_cast %select_n3A_168 : i32 to index
        %parallel_loop3A_263 = arith.index_cast %parallel_loop3A_205 : i32 to index
        %parallel_loop3A_264 = arith.constant 64 : index
        %parallel_loop3A_265 = tpu.vector_load %arg6[%parallel_loop3A_262, %parallel_loop3A_263, %parallel_loop3A_264] {strides = array<i32>} : memref<6x16x1024xf32, #tpu.memory_space<vmem>>, vector<1x1x16xf32>,
        %parallel_loop3A_266 = vector.shape_cast %parallel_loop3A_265 : vector<1x1x16xf32> to vector<16xf32>
        %parallel_loop3A_267 = arith.constant 3.200000e+01 : f32
        %parallel_loop3A_268 = vector.broadcast %parallel_loop3A_267 : f32 to vector<16xf32>
        %parallel_loop3A_269 = arith.mulf %parallel_loop3A_266, %parallel_loop3A_268 : vector<16xf32>
        %parallel_loop3A_270 = arith.index_cast %select_n3A_168 : i32 to index
        %parallel_loop3A_271 = arith.index_cast %parallel_loop3A_205 : i32 to index
        %parallel_loop3A_272 = arith.constant 64 : index
        %parallel_loop3A_273 = tpu.vector_load %arg6[%parallel_loop3A_270, %parallel_loop3A_271, %parallel_loop3A_272] {strides = array<i32>} : memref<6x16x1024xf32, #tpu.memory_space<vmem>>, vector<1x1x16xf32>,
        %parallel_loop3A_274 = vector.shape_cast %parallel_loop3A_273 : vector<1x1x16xf32> to vector<16xf32>
        %parallel_loop3A_275 = vector.shape_cast %parallel_loop3A_269 : vector<16xf32> to vector<1x1x16xf32>
        tpu.vector_store %arg6[%parallel_loop3A_270, %parallel_loop3A_271, %parallel_loop3A_272], %parallel_loop3A_275 {strides = array<i32>} : memref<6x16x1024xf32, #tpu.memory_space<vmem>>, vector<1x1x16xf32>,
        %parallel_loop3A_276 = arith.index_cast %select_n3A_168 : i32 to index
        %parallel_loop3A_277 = arith.index_cast %parallel_loop3A_205 : i32 to index
        %parallel_loop3A_278 = arith.constant 80 : index
        %parallel_loop3A_279 = tpu.vector_load %arg6[%parallel_loop3A_276, %parallel_loop3A_277, %parallel_loop3A_278] {strides = array<i32>} : memref<6x16x1024xf32, #tpu.memory_space<vmem>>, vector<1x1x16xf32>,
        %parallel_loop3A_280 = vector.shape_cast %parallel_loop3A_279 : vector<1x1x16xf32> to vector<16xf32>
        %parallel_loop3A_281 = arith.constant 3.200000e+01 : f32
        %parallel_loop3A_282 = vector.broadcast %parallel_loop3A_281 : f32 to vector<16xf32>
        %parallel_loop3A_283 = arith.mulf %parallel_loop3A_280, %parallel_loop3A_282 : vector<16xf32>
        %parallel_loop3A_284 = arith.index_cast %select_n3A_168 : i32 to index
        %parallel_loop3A_285 = arith.index_cast %parallel_loop3A_205 : i32 to index
        %parallel_loop3A_286 = arith.constant 80 : index
        %parallel_loop3A_287 = tpu.vector_load %arg6[%parallel_loop3A_284, %parallel_loop3A_285, %parallel_loop3A_286] {strides = array<i32>} : memref<6x16x1024xf32, #tpu.memory_space<vmem>>, vector<1x1x16xf32>,
        %parallel_loop3A_288 = vector.shape_cast %parallel_loop3A_287 : vector<1x1x16xf32> to vector<16xf32>
        %parallel_loop3A_289 = vector.shape_cast %parallel_loop3A_283 : vector<16xf32> to vector<1x1x16xf32>
        tpu.vector_store %arg6[%parallel_loop3A_284, %parallel_loop3A_285, %parallel_loop3A_286], %parallel_loop3A_289 {strides = array<i32>} : memref<6x16x1024xf32, #tpu.memory_space<vmem>>, vector<1x1x16xf32>,
        %parallel_loop3A_290 = arith.index_cast %select_n3A_168 : i32 to index
        %parallel_loop3A_291 = arith.index_cast %parallel_loop3A_205 : i32 to index
        %parallel_loop3A_292 = arith.constant 96 : index
        %parallel_loop3A_293 = tpu.vector_load %arg6[%parallel_loop3A_290, %parallel_loop3A_291, %parallel_loop3A_292] {strides = array<i32>} : memref<6x16x1024xf32, #tpu.memory_space<vmem>>, vector<1x1x16xf32>,
        %parallel_loop3A_294 = vector.shape_cast %parallel_loop3A_293 : vector<1x1x16xf32> to vector<16xf32>
        %parallel_loop3A_295 = arith.constant 3.200000e+01 : f32
        %parallel_loop3A_296 = vector.broadcast %parallel_loop3A_295 : f32 to vector<16xf32>
        %parallel_loop3A_297 = arith.mulf %parallel_loop3A_294, %parallel_loop3A_296 : vector<16xf32>
        %parallel_loop3A_298 = arith.index_cast %select_n3A_168 : i32 to index
        %parallel_loop3A_299 = arith.index_cast %parallel_loop3A_205 : i32 to index
        %parallel_loop3A_300 = arith.constant 96 : index
        %parallel_loop3A_301 = tpu.vector_load %arg6[%parallel_loop3A_298, %parallel_loop3A_299, %parallel_loop3A_300] {strides = array<i32>} : memref<6x16x1024xf32, #tpu.memory_space<vmem>>, vector<1x1x16xf32>,
        %parallel_loop3A_302 = vector.shape_cast %parallel_loop3A_301 : vector<1x1x16xf32> to vector<16xf32>
        %parallel_loop3A_303 = vector.shape_cast %parallel_loop3A_297 : vector<16xf32> to vector<1x1x16xf32>
        tpu.vector_store %arg6[%parallel_loop3A_298, %parallel_loop3A_299, %parallel_loop3A_300], %parallel_loop3A_303 {strides = array<i32>} : memref<6x16x1024xf32, #tpu.memory_space<vmem>>, vector<1x1x16xf32>,
        %parallel_loop3A_304 = arith.index_cast %select_n3A_168 : i32 to index
        %parallel_loop3A_305 = arith.index_cast %parallel_loop3A_205 : i32 to index
        %parallel_loop3A_306 = arith.constant 112 : index
        %parallel_loop3A_307 = tpu.vector_load %arg6[%parallel_loop3A_304, %parallel_loop3A_305, %parallel_loop3A_306] {strides = array<i32>} : memref<6x16x1024xf32, #tpu.memory_space<vmem>>, vector<1x1x16xf32>,
        %parallel_loop3A_308 = vector.shape_cast %parallel_loop3A_307 : vector<1x1x16xf32> to vector<16xf32>
        %parallel_loop3A_309 = arith.constant 3.200000e+01 : f32
        %parallel_loop3A_310 = vector.broadcast %parallel_loop3A_309 : f32 to vector<16xf32>
        %parallel_loop3A_311 = arith.mulf %parallel_loop3A_308, %parallel_loop3A_310 : vector<16xf32>
        %parallel_loop3A_312 = arith.index_cast %select_n3A_168 : i32 to index
        %parallel_loop3A_313 = arith.index_cast %parallel_loop3A_205 : i32 to index
        %parallel_loop3A_314 = arith.constant 112 : index
        %parallel_loop3A_315 = tpu.vector_load %arg6[%parallel_loop3A_312, %parallel_loop3A_313, %parallel_loop3A_314] {strides = array<i32>} : memref<6x16x1024xf32, #tpu.memory_space<vmem>>, vector<1x1x16xf32>,
        %parallel_loop3A_316 = vector.shape_cast %parallel_loop3A_315 : vector<1x1x16xf32> to vector<16xf32>
        %parallel_loop3A_317 = vector.shape_cast %parallel_loop3A_311 : vector<16xf32> to vector<1x1x16xf32>
        tpu.vector_store %arg6[%parallel_loop3A_312, %parallel_loop3A_313, %parallel_loop3A_314], %parallel_loop3A_317 {strides = array<i32>} : memref<6x16x1024xf32, #tpu.memory_space<vmem>>, vector<1x1x16xf32>,
        %parallel_loop3A_318 = arith.index_cast %select_n3A_168 : i32 to index
        %parallel_loop3A_319 = arith.index_cast %parallel_loop3A_205 : i32 to index
        %parallel_loop3A_320 = arith.constant 128 : index
        %parallel_loop3A_321 = tpu.vector_load %arg6[%parallel_loop3A_318, %parallel_loop3A_319, %parallel_loop3A_320] {strides = array<i32>} : memref<6x16x1024xf32, #tpu.memory_space<vmem>>, vector<1x1x16xf32>,
        %parallel_loop3A_322 = vector.shape_cast %parallel_loop3A_321 : vector<1x1x16xf32> to vector<16xf32>
        %parallel_loop3A_323 = arith.constant 3.200000e+01 : f32
        %parallel_loop3A_324 = vector.broadcast %parallel_loop3A_323 : f32 to vector<16xf32>
        %parallel_loop3A_325 = arith.mulf %parallel_loop3A_322, %parallel_loop3A_324 : vector<16xf32>
        %parallel_loop3A_326 = arith.index_cast %select_n3A_168 : i32 to index
        %parallel_loop3A_327 = arith.index_cast %parallel_loop3A_205 : i32 to index
        %parallel_loop3A_328 = arith.constant 128 : index
        %parallel_loop3A_329 = tpu.vector_load %arg6[%parallel_loop3A_326, %parallel_loop3A_327, %parallel_loop3A_328] {strides = array<i32>} : memref<6x16x1024xf32, #tpu.memory_space<vmem>>, vector<1x1x16xf32>,
        %parallel_loop3A_330 = vector.shape_cast %parallel_loop3A_329 : vector<1x1x16xf32> to vector<16xf32>
        %parallel_loop3A_331 = vector.shape_cast %parallel_loop3A_325 : vector<16xf32> to vector<1x1x16xf32>
        tpu.vector_store %arg6[%parallel_loop3A_326, %parallel_loop3A_327, %parallel_loop3A_328], %parallel_loop3A_331 {strides = array<i32>} : memref<6x16x1024xf32, #tpu.memory_space<vmem>>, vector<1x1x16xf32>,
        %parallel_loop3A_332 = arith.index_cast %select_n3A_168 : i32 to index
        %parallel_loop3A_333 = arith.index_cast %parallel_loop3A_205 : i32 to index
        %parallel_loop3A_334 = arith.constant 144 : index
        %parallel_loop3A_335 = tpu.vector_load %arg6[%parallel_loop3A_332, %parallel_loop3A_333, %parallel_loop3A_334] {strides = array<i32>} : memref<6x16x1024xf32, #tpu.memory_space<vmem>>, vector<1x1x16xf32>,
        %parallel_loop3A_336 = vector.shape_cast %parallel_loop3A_335 : vector<1x1x16xf32> to vector<16xf32>
        %parallel_loop3A_337 = arith.constant 3.200000e+01 : f32
        %parallel_loop3A_338 = vector.broadcast %parallel_loop3A_337 : f32 to vector<16xf32>
        %parallel_loop3A_339 = arith.mulf %parallel_loop3A_336, %parallel_loop3A_338 : vector<16xf32>
        %parallel_loop3A_340 = arith.index_cast %select_n3A_168 : i32 to index
        %parallel_loop3A_341 = arith.index_cast %parallel_loop3A_205 : i32 to index
        %parallel_loop3A_342 = arith.constant 144 : index
        %parallel_loop3A_343 = tpu.vector_load %arg6[%parallel_loop3A_340, %parallel_loop3A_341, %parallel_loop3A_342] {strides = array<i32>} : memref<6x16x1024xf32, #tpu.memory_space<vmem>>, vector<1x1x16xf32>,
        %parallel_loop3A_344 = vector.shape_cast %parallel_loop3A_343 : vector<1x1x16xf32> to vector<16xf32>
        %parallel_loop3A_345 = vector.shape_cast %parallel_loop3A_339 : vector<16xf32> to vector<1x1x16xf32>
        tpu.vector_store %arg6[%parallel_loop3A_340, %parallel_loop3A_341, %parallel_loop3A_342], %parallel_loop3A_345 {strides = array<i32>} : memref<6x16x1024xf32, #tpu.memory_space<vmem>>, vector<1x1x16xf32>,
        %parallel_loop3A_346 = arith.index_cast %select_n3A_168 : i32 to index
        %parallel_loop3A_347 = arith.index_cast %parallel_loop3A_205 : i32 to index
        %parallel_loop3A_348 = arith.constant 160 : index
        %parallel_loop3A_349 = tpu.vector_load %arg6[%parallel_loop3A_346, %parallel_loop3A_347, %parallel_loop3A_348] {strides = array<i32>} : memref<6x16x1024xf32, #tpu.memory_space<vmem>>, vector<1x1x16xf32>,
        %parallel_loop3A_350 = vector.shape_cast %parallel_loop3A_349 : vector<1x1x16xf32> to vector<16xf32>
        %parallel_loop3A_351 = arith.constant 3.200000e+01 : f32
        %parallel_loop3A_352 = vector.broadcast %parallel_loop3A_351 : f32 to vector<16xf32>
        %parallel_loop3A_353 = arith.mulf %parallel_loop3A_350, %parallel_loop3A_352 : vector<16xf32>
        %parallel_loop3A_354 = arith.index_cast %select_n3A_168 : i32 to index
        %parallel_loop3A_355 = arith.index_cast %parallel_loop3A_205 : i32 to index
        %parallel_loop3A_356 = arith.constant 160 : index
        %parallel_loop3A_357 = tpu.vector_load %arg6[%parallel_loop3A_354, %parallel_loop3A_355, %parallel_loop3A_356] {strides = array<i32>} : memref<6x16x1024xf32, #tpu.memory_space<vmem>>, vector<1x1x16xf32>,
        %parallel_loop3A_358 = vector.shape_cast %parallel_loop3A_357 : vector<1x1x16xf32> to vector<16xf32>
        %parallel_loop3A_359 = vector.shape_cast %parallel_loop3A_353 : vector<16xf32> to vector<1x1x16xf32>
        tpu.vector_store %arg6[%parallel_loop3A_354, %parallel_loop3A_355, %parallel_loop3A_356], %parallel_loop3A_359 {strides = array<i32>} : memref<6x16x1024xf32, #tpu.memory_space<vmem>>, vector<1x1x16xf32>,
        %parallel_loop3A_360 = arith.index_cast %select_n3A_168 : i32 to index
        %parallel_loop3A_361 = arith.index_cast %parallel_loop3A_205 : i32 to index
        %parallel_loop3A_362 = arith.constant 176 : index
        %parallel_loop3A_363 = tpu.vector_load %arg6[%parallel_loop3A_360, %parallel_loop3A_361, %parallel_loop3A_362] {strides = array<i32>} : memref<6x16x1024xf32, #tpu.memory_space<vmem>>, vector<1x1x16xf32>,
        %parallel_loop3A_364 = vector.shape_cast %parallel_loop3A_363 : vector<1x1x16xf32> to vector<16xf32>
        %parallel_loop3A_365 = arith.constant 3.200000e+01 : f32
        %parallel_loop3A_366 = vector.broadcast %parallel_loop3A_365 : f32 to vector<16xf32>
        %parallel_loop3A_367 = arith.mulf %parallel_loop3A_364, %parallel_loop3A_366 : vector<16xf32>
        %parallel_loop3A_368 = arith.index_cast %select_n3A_168 : i32 to index
        %parallel_loop3A_369 = arith.index_cast %parallel_loop3A_205 : i32 to index
        %parallel_loop3A_370 = arith.constant 176 : index
        %parallel_loop3A_371 = tpu.vector_load %arg6[%parallel_loop3A_368, %parallel_loop3A_369, %parallel_loop3A_370] {strides = array<i32>} : memref<6x16x1024xf32, #tpu.memory_space<vmem>>, vector<1x1x16xf32>,
        %parallel_loop3A_372 = vector.shape_cast %parallel_loop3A_371 : vector<1x1x16xf32> to vector<16xf32>
        %parallel_loop3A_373 = vector.shape_cast %parallel_loop3A_367 : vector<16xf32> to vector<1x1x16xf32>
        tpu.vector_store %arg6[%parallel_loop3A_368, %parallel_loop3A_369, %parallel_loop3A_370], %parallel_loop3A_373 {strides = array<i32>} : memref<6x16x1024xf32, #tpu.memory_space<vmem>>, vector<1x1x16xf32>,
        %parallel_loop3A_374 = arith.index_cast %select_n3A_168 : i32 to index
        %parallel_loop3A_375 = arith.index_cast %parallel_loop3A_205 : i32 to index
        %parallel_loop3A_376 = arith.constant 192 : index
        %parallel_loop3A_377 = tpu.vector_load %arg6[%parallel_loop3A_374, %parallel_loop3A_375, %parallel_loop3A_376] {strides = array<i32>} : memref<6x16x1024xf32, #tpu.memory_space<vmem>>, vector<1x1x16xf32>,
        %parallel_loop3A_378 = vector.shape_cast %parallel_loop3A_377 : vector<1x1x16xf32> to vector<16xf32>
        %parallel_loop3A_379 = arith.constant 3.200000e+01 : f32
        %parallel_loop3A_380 = vector.broadcast %parallel_loop3A_379 : f32 to vector<16xf32>
        %parallel_loop3A_381 = arith.mulf %parallel_loop3A_378, %parallel_loop3A_380 : vector<16xf32>
        %parallel_loop3A_382 = arith.index_cast %select_n3A_168 : i32 to index
        %parallel_loop3A_383 = arith.index_cast %parallel_loop3A_205 : i32 to index
        %parallel_loop3A_384 = arith.constant 192 : index
        %parallel_loop3A_385 = tpu.vector_load %arg6[%parallel_loop3A_382, %parallel_loop3A_383, %parallel_loop3A_384] {strides = array<i32>} : memref<6x16x1024xf32, #tpu.memory_space<vmem>>, vector<1x1x16xf32>,
        %parallel_loop3A_386 = vector.shape_cast %parallel_loop3A_385 : vector<1x1x16xf32> to vector<16xf32>
        %parallel_loop3A_387 = vector.shape_cast %parallel_loop3A_381 : vector<16xf32> to vector<1x1x16xf32>
        tpu.vector_store %arg6[%parallel_loop3A_382, %parallel_loop3A_383, %parallel_loop3A_384], %parallel_loop3A_387 {strides = array<i32>} : memref<6x16x1024xf32, #tpu.memory_space<vmem>>, vector<1x1x16xf32>,
        %parallel_loop3A_388 = arith.index_cast %select_n3A_168 : i32 to index
        %parallel_loop3A_389 = arith.index_cast %parallel_loop3A_205 : i32 to index
        %parallel_loop3A_390 = arith.constant 208 : index
        %parallel_loop3A_391 = tpu.vector_load %arg6[%parallel_loop3A_388, %parallel_loop3A_389, %parallel_loop3A_390] {strides = array<i32>} : memref<6x16x1024xf32, #tpu.memory_space<vmem>>, vector<1x1x16xf32>,
        %parallel_loop3A_392 = vector.shape_cast %parallel_loop3A_391 : vector<1x1x16xf32> to vector<16xf32>
        %parallel_loop3A_393 = arith.constant 3.200000e+01 : f32
        %parallel_loop3A_394 = vector.broadcast %parallel_loop3A_393 : f32 to vector<16xf32>
        %parallel_loop3A_395 = arith.mulf %parallel_loop3A_392, %parallel_loop3A_394 : vector<16xf32>
        %parallel_loop3A_396 = arith.index_cast %select_n3A_168 : i32 to index
        %parallel_loop3A_397 = arith.index_cast %parallel_loop3A_205 : i32 to index
        %parallel_loop3A_398 = arith.constant 208 : index
        %parallel_loop3A_399 = tpu.vector_load %arg6[%parallel_loop3A_396, %parallel_loop3A_397, %parallel_loop3A_398] {strides = array<i32>} : memref<6x16x1024xf32, #tpu.memory_space<vmem>>, vector<1x1x16xf32>,
        %parallel_loop3A_400 = vector.shape_cast %parallel_loop3A_399 : vector<1x1x16xf32> to vector<16xf32>
        %parallel_loop3A_401 = vector.shape_cast %parallel_loop3A_395 : vector<16xf32> to vector<1x1x16xf32>
        tpu.vector_store %arg6[%parallel_loop3A_396, %parallel_loop3A_397, %parallel_loop3A_398], %parallel_loop3A_401 {strides = array<i32>} : memref<6x16x1024xf32, #tpu.memory_space<vmem>>, vector<1x1x16xf32>,
        %parallel_loop3A_402 = arith.index_cast %select_n3A_168 : i32 to index
        %parallel_loop3A_403 = arith.index_cast %parallel_loop3A_205 : i32 to index
        %parallel_loop3A_404 = arith.constant 224 : index
        %parallel_loop3A_405 = tpu.vector_load %arg6[%parallel_loop3A_402, %parallel_loop3A_403, %parallel_loop3A_404] {strides = array<i32>} : memref<6x16x1024xf32, #tpu.memory_space<vmem>>, vector<1x1x16xf32>,
        %parallel_loop3A_406 = vector.shape_cast %parallel_loop3A_405 : vector<1x1x16xf32> to vector<16xf32>
        %parallel_loop3A_407 = arith.constant 3.200000e+01 : f32
        %parallel_loop3A_408 = vector.broadcast %parallel_loop3A_407 : f32 to vector<16xf32>
        %parallel_loop3A_409 = arith.mulf %parallel_loop3A_406, %parallel_loop3A_408 : vector<16xf32>
        %parallel_loop3A_410 = arith.index_cast %select_n3A_168 : i32 to index
        %parallel_loop3A_411 = arith.index_cast %parallel_loop3A_205 : i32 to index
        %parallel_loop3A_412 = arith.constant 224 : index
        %parallel_loop3A_413 = tpu.vector_load %arg6[%parallel_loop3A_410, %parallel_loop3A_411, %parallel_loop3A_412] {strides = array<i32>} : memref<6x16x1024xf32, #tpu.memory_space<vmem>>, vector<1x1x16xf32>,
        %parallel_loop3A_414 = vector.shape_cast %parallel_loop3A_413 : vector<1x1x16xf32> to vector<16xf32>
        %parallel_loop3A_415 = vector.shape_cast %parallel_loop3A_409 : vector<16xf32> to vector<1x1x16xf32>
        tpu.vector_store %arg6[%parallel_loop3A_410, %parallel_loop3A_411, %parallel_loop3A_412], %parallel_loop3A_415 {strides = array<i32>} : memref<6x16x1024xf32, #tpu.memory_space<vmem>>, vector<1x1x16xf32>,
        %parallel_loop3A_416 = arith.index_cast %select_n3A_168 : i32 to index
        %parallel_loop3A_417 = arith.index_cast %parallel_loop3A_205 : i32 to index
        %parallel_loop3A_418 = arith.constant 240 : index
        %parallel_loop3A_419 = tpu.vector_load %arg6[%parallel_loop3A_416, %parallel_loop3A_417, %parallel_loop3A_418] {strides = array<i32>} : memref<6x16x1024xf32, #tpu.memory_space<vmem>>, vector<1x1x16xf32>,
        %parallel_loop3A_420 = vector.shape_cast %parallel_loop3A_419 : vector<1x1x16xf32> to vector<16xf32>
        %parallel_loop3A_421 = arith.constant 3.200000e+01 : f32
        %parallel_loop3A_422 = vector.broadcast %parallel_loop3A_421 : f32 to vector<16xf32>
        %parallel_loop3A_423 = arith.mulf %parallel_loop3A_420, %parallel_loop3A_422 : vector<16xf32>
        %parallel_loop3A_424 = arith.index_cast %select_n3A_168 : i32 to index
        %parallel_loop3A_425 = arith.index_cast %parallel_loop3A_205 : i32 to index
        %parallel_loop3A_426 = arith.constant 240 : index
        %parallel_loop3A_427 = tpu.vector_load %arg6[%parallel_loop3A_424, %parallel_loop3A_425, %parallel_loop3A_426] {strides = array<i32>} : memref<6x16x1024xf32, #tpu.memory_space<vmem>>, vector<1x1x16xf32>,
        %parallel_loop3A_428 = vector.shape_cast %parallel_loop3A_427 : vector<1x1x16xf32> to vector<16xf32>
        %parallel_loop3A_429 = vector.shape_cast %parallel_loop3A_423 : vector<16xf32> to vector<1x1x16xf32>
        tpu.vector_store %arg6[%parallel_loop3A_424, %parallel_loop3A_425, %parallel_loop3A_426], %parallel_loop3A_429 {strides = array<i32>} : memref<6x16x1024xf32, #tpu.memory_space<vmem>>, vector<1x1x16xf32>,
        %parallel_loop3A_430 = arith.index_cast %select_n3A_168 : i32 to index
        %parallel_loop3A_431 = arith.index_cast %parallel_loop3A_205 : i32 to index
        %parallel_loop3A_432 = arith.constant 256 : index
        %parallel_loop3A_433 = tpu.vector_load %arg6[%parallel_loop3A_430, %parallel_loop3A_431, %parallel_loop3A_432] {strides = array<i32>} : memref<6x16x1024xf32, #tpu.memory_space<vmem>>, vector<1x1x16xf32>,
        %parallel_loop3A_434 = vector.shape_cast %parallel_loop3A_433 : vector<1x1x16xf32> to vector<16xf32>
        %parallel_loop3A_435 = arith.constant 3.200000e+01 : f32
        %parallel_loop3A_436 = vector.broadcast %parallel_loop3A_435 : f32 to vector<16xf32>
        %parallel_loop3A_437 = arith.mulf %parallel_loop3A_434, %parallel_loop3A_436 : vector<16xf32>
        %parallel_loop3A_438 = arith.index_cast %select_n3A_168 : i32 to index
        %parallel_loop3A_439 = arith.index_cast %parallel_loop3A_205 : i32 to index
        %parallel_loop3A_440 = arith.constant 256 : index
        %parallel_loop3A_441 = tpu.vector_load %arg6[%parallel_loop3A_438, %parallel_loop3A_439, %parallel_loop3A_440] {strides = array<i32>} : memref<6x16x1024xf32, #tpu.memory_space<vmem>>, vector<1x1x16xf32>,
        %parallel_loop3A_442 = vector.shape_cast %parallel_loop3A_441 : vector<1x1x16xf32> to vector<16xf32>
        %parallel_loop3A_443 = vector.shape_cast %parallel_loop3A_437 : vector<16xf32> to vector<1x1x16xf32>
        tpu.vector_store %arg6[%parallel_loop3A_438, %parallel_loop3A_439, %parallel_loop3A_440], %parallel_loop3A_443 {strides = array<i32>} : memref<6x16x1024xf32, #tpu.memory_space<vmem>>, vector<1x1x16xf32>,
        %parallel_loop3A_444 = arith.index_cast %select_n3A_168 : i32 to index
        %parallel_loop3A_445 = arith.index_cast %parallel_loop3A_205 : i32 to index
        %parallel_loop3A_446 = arith.constant 272 : index
        %parallel_loop3A_447 = tpu.vector_load %arg6[%parallel_loop3A_444, %parallel_loop3A_445, %parallel_loop3A_446] {strides = array<i32>} : memref<6x16x1024xf32, #tpu.memory_space<vmem>>, vector<1x1x16xf32>,
        %parallel_loop3A_448 = vector.shape_cast %parallel_loop3A_447 : vector<1x1x16xf32> to vector<16xf32>
        %parallel_loop3A_449 = arith.constant 3.200000e+01 : f32
        %parallel_loop3A_450 = vector.broadcast %parallel_loop3A_449 : f32 to vector<16xf32>
        %parallel_loop3A_451 = arith.mulf %parallel_loop3A_448, %parallel_loop3A_450 : vector<16xf32>
        %parallel_loop3A_452 = arith.index_cast %select_n3A_168 : i32 to index
        %parallel_loop3A_453 = arith.index_cast %parallel_loop3A_205 : i32 to index
        %parallel_loop3A_454 = arith.constant 272 : index
        %parallel_loop3A_455 = tpu.vector_load %arg6[%parallel_loop3A_452, %parallel_loop3A_453, %parallel_loop3A_454] {strides = array<i32>} : memref<6x16x1024xf32, #tpu.memory_space<vmem>>, vector<1x1x16xf32>,
        %parallel_loop3A_456 = vector.shape_cast %parallel_loop3A_455 : vector<1x1x16xf32> to vector<16xf32>
        %parallel_loop3A_457 = vector.shape_cast %parallel_loop3A_451 : vector<16xf32> to vector<1x1x16xf32>
        tpu.vector_store %arg6[%parallel_loop3A_452, %parallel_loop3A_453, %parallel_loop3A_454], %parallel_loop3A_457 {strides = array<i32>} : memref<6x16x1024xf32, #tpu.memory_space<vmem>>, vector<1x1x16xf32>,
        %parallel_loop3A_458 = arith.index_cast %select_n3A_168 : i32 to index
        %parallel_loop3A_459 = arith.index_cast %parallel_loop3A_205 : i32 to index
        %parallel_loop3A_460 = arith.constant 288 : index
        %parallel_loop3A_461 = tpu.vector_load %arg6[%parallel_loop3A_458, %parallel_loop3A_459, %parallel_loop3A_460] {strides = array<i32>} : memref<6x16x1024xf32, #tpu.memory_space<vmem>>, vector<1x1x16xf32>,
        %parallel_loop3A_462 = vector.shape_cast %parallel_loop3A_461 : vector<1x1x16xf32> to vector<16xf32>
        %parallel_loop3A_463 = arith.constant 3.200000e+01 : f32
        %parallel_loop3A_464 = vector.broadcast %parallel_loop3A_463 : f32 to vector<16xf32>
        %parallel_loop3A_465 = arith.mulf %parallel_loop3A_462, %parallel_loop3A_464 : vector<16xf32>
        %parallel_loop3A_466 = arith.index_cast %select_n3A_168 : i32 to index
        %parallel_loop3A_467 = arith.index_cast %parallel_loop3A_205 : i32 to index
        %parallel_loop3A_468 = arith.constant 288 : index
        %parallel_loop3A_469 = tpu.vector_load %arg6[%parallel_loop3A_466, %parallel_loop3A_467, %parallel_loop3A_468] {strides = array<i32>} : memref<6x16x1024xf32, #tpu.memory_space<vmem>>, vector<1x1x16xf32>,
        %parallel_loop3A_470 = vector.shape_cast %parallel_loop3A_469 : vector<1x1x16xf32> to vector<16xf32>
        %parallel_loop3A_471 = vector.shape_cast %parallel_loop3A_465 : vector<16xf32> to vector<1x1x16xf32>
        tpu.vector_store %arg6[%parallel_loop3A_466, %parallel_loop3A_467, %parallel_loop3A_468], %parallel_loop3A_471 {strides = array<i32>} : memref<6x16x1024xf32, #tpu.memory_space<vmem>>, vector<1x1x16xf32>,
        %parallel_loop3A_472 = arith.index_cast %select_n3A_168 : i32 to index
        %parallel_loop3A_473 = arith.index_cast %parallel_loop3A_205 : i32 to index
        %parallel_loop3A_474 = arith.constant 304 : index
        %parallel_loop3A_475 = tpu.vector_load %arg6[%parallel_loop3A_472, %parallel_loop3A_473, %parallel_loop3A_474] {strides = array<i32>} : memref<6x16x1024xf32, #tpu.memory_space<vmem>>, vector<1x1x16xf32>,
        %parallel_loop3A_476 = vector.shape_cast %parallel_loop3A_475 : vector<1x1x16xf32> to vector<16xf32>
        %parallel_loop3A_477 = arith.constant 3.200000e+01 : f32
        %parallel_loop3A_478 = vector.broadcast %parallel_loop3A_477 : f32 to vector<16xf32>
        %parallel_loop3A_479 = arith.mulf %parallel_loop3A_476, %parallel_loop3A_478 : vector<16xf32>
        %parallel_loop3A_480 = arith.index_cast %select_n3A_168 : i32 to index
        %parallel_loop3A_481 = arith.index_cast %parallel_loop3A_205 : i32 to index
        %parallel_loop3A_482 = arith.constant 304 : index
        %parallel_loop3A_483 = tpu.vector_load %arg6[%parallel_loop3A_480, %parallel_loop3A_481, %parallel_loop3A_482] {strides = array<i32>} : memref<6x16x1024xf32, #tpu.memory_space<vmem>>, vector<1x1x16xf32>,
        %parallel_loop3A_484 = vector.shape_cast %parallel_loop3A_483 : vector<1x1x16xf32> to vector<16xf32>
        %parallel_loop3A_485 = vector.shape_cast %parallel_loop3A_479 : vector<16xf32> to vector<1x1x16xf32>
        tpu.vector_store %arg6[%parallel_loop3A_480, %parallel_loop3A_481, %parallel_loop3A_482], %parallel_loop3A_485 {strides = array<i32>} : memref<6x16x1024xf32, #tpu.memory_space<vmem>>, vector<1x1x16xf32>,
        %parallel_loop3A_486 = arith.index_cast %select_n3A_168 : i32 to index
        %parallel_loop3A_487 = arith.index_cast %parallel_loop3A_205 : i32 to index
        %parallel_loop3A_488 = arith.constant 320 : index
        %parallel_loop3A_489 = tpu.vector_load %arg6[%parallel_loop3A_486, %parallel_loop3A_487, %parallel_loop3A_488] {strides = array<i32>} : memref<6x16x1024xf32, #tpu.memory_space<vmem>>, vector<1x1x16xf32>,
        %parallel_loop3A_490 = vector.shape_cast %parallel_loop3A_489 : vector<1x1x16xf32> to vector<16xf32>
        %parallel_loop3A_491 = arith.constant 3.200000e+01 : f32
        %parallel_loop3A_492 = vector.broadcast %parallel_loop3A_491 : f32 to vector<16xf32>
        %parallel_loop3A_493 = arith.mulf %parallel_loop3A_490, %parallel_loop3A_492 : vector<16xf32>
        %parallel_loop3A_494 = arith.index_cast %select_n3A_168 : i32 to index
        %parallel_loop3A_495 = arith.index_cast %parallel_loop3A_205 : i32 to index
        %parallel_loop3A_496 = arith.constant 320 : index
        %parallel_loop3A_497 = tpu.vector_load %arg6[%parallel_loop3A_494, %parallel_loop3A_495, %parallel_loop3A_496] {strides = array<i32>} : memref<6x16x1024xf32, #tpu.memory_space<vmem>>, vector<1x1x16xf32>,
        %parallel_loop3A_498 = vector.shape_cast %parallel_loop3A_497 : vector<1x1x16xf32> to vector<16xf32>
        %parallel_loop3A_499 = vector.shape_cast %parallel_loop3A_493 : vector<16xf32> to vector<1x1x16xf32>
        tpu.vector_store %arg6[%parallel_loop3A_494, %parallel_loop3A_495, %parallel_loop3A_496], %parallel_loop3A_499 {strides = array<i32>} : memref<6x16x1024xf32, #tpu.memory_space<vmem>>, vector<1x1x16xf32>,
        %parallel_loop3A_500 = arith.index_cast %select_n3A_168 : i32 to index
        %parallel_loop3A_501 = arith.index_cast %parallel_loop3A_205 : i32 to index
        %parallel_loop3A_502 = arith.constant 336 : index
        %parallel_loop3A_503 = tpu.vector_load %arg6[%parallel_loop3A_500, %parallel_loop3A_501, %parallel_loop3A_502] {strides = array<i32>} : memref<6x16x1024xf32, #tpu.memory_space<vmem>>, vector<1x1x16xf32>,
        %parallel_loop3A_504 = vector.shape_cast %parallel_loop3A_503 : vector<1x1x16xf32> to vector<16xf32>
        %parallel_loop3A_505 = arith.constant 3.200000e+01 : f32
        %parallel_loop3A_506 = vector.broadcast %parallel_loop3A_505 : f32 to vector<16xf32>
        %parallel_loop3A_507 = arith.mulf %parallel_loop3A_504, %parallel_loop3A_506 : vector<16xf32>
        %parallel_loop3A_508 = arith.index_cast %select_n3A_168 : i32 to index
        %parallel_loop3A_509 = arith.index_cast %parallel_loop3A_205 : i32 to index
        %parallel_loop3A_510 = arith.constant 336 : index
        %parallel_loop3A_511 = tpu.vector_load %arg6[%parallel_loop3A_508, %parallel_loop3A_509, %parallel_loop3A_510] {strides = array<i32>} : memref<6x16x1024xf32, #tpu.memory_space<vmem>>, vector<1x1x16xf32>,
        %parallel_loop3A_512 = vector.shape_cast %parallel_loop3A_511 : vector<1x1x16xf32> to vector<16xf32>
        %parallel_loop3A_513 = vector.shape_cast %parallel_loop3A_507 : vector<16xf32> to vector<1x1x16xf32>
        tpu.vector_store %arg6[%parallel_loop3A_508, %parallel_loop3A_509, %parallel_loop3A_510], %parallel_loop3A_513 {strides = array<i32>} : memref<6x16x1024xf32, #tpu.memory_space<vmem>>, vector<1x1x16xf32>,
        %parallel_loop3A_514 = arith.index_cast %select_n3A_168 : i32 to index
        %parallel_loop3A_515 = arith.index_cast %parallel_loop3A_205 : i32 to index
        %parallel_loop3A_516 = arith.constant 352 : index
        %parallel_loop3A_517 = tpu.vector_load %arg6[%parallel_loop3A_514, %parallel_loop3A_515, %parallel_loop3A_516] {strides = array<i32>} : memref<6x16x1024xf32, #tpu.memory_space<vmem>>, vector<1x1x16xf32>,
        %parallel_loop3A_518 = vector.shape_cast %parallel_loop3A_517 : vector<1x1x16xf32> to vector<16xf32>
        %parallel_loop3A_519 = arith.constant 3.200000e+01 : f32
        %parallel_loop3A_520 = vector.broadcast %parallel_loop3A_519 : f32 to vector<16xf32>
        %parallel_loop3A_521 = arith.mulf %parallel_loop3A_518, %parallel_loop3A_520 : vector<16xf32>
        %parallel_loop3A_522 = arith.index_cast %select_n3A_168 : i32 to index
        %parallel_loop3A_523 = arith.index_cast %parallel_loop3A_205 : i32 to index
        %parallel_loop3A_524 = arith.constant 352 : index
        %parallel_loop3A_525 = tpu.vector_load %arg6[%parallel_loop3A_522, %parallel_loop3A_523, %parallel_loop3A_524] {strides = array<i32>} : memref<6x16x1024xf32, #tpu.memory_space<vmem>>, vector<1x1x16xf32>,
        %parallel_loop3A_526 = vector.shape_cast %parallel_loop3A_525 : vector<1x1x16xf32> to vector<16xf32>
        %parallel_loop3A_527 = vector.shape_cast %parallel_loop3A_521 : vector<16xf32> to vector<1x1x16xf32>
        tpu.vector_store %arg6[%parallel_loop3A_522, %parallel_loop3A_523, %parallel_loop3A_524], %parallel_loop3A_527 {strides = array<i32>} : memref<6x16x1024xf32, #tpu.memory_space<vmem>>, vector<1x1x16xf32>,
        %parallel_loop3A_528 = arith.index_cast %select_n3A_168 : i32 to index
        %parallel_loop3A_529 = arith.index_cast %parallel_loop3A_205 : i32 to index
        %parallel_loop3A_530 = arith.constant 368 : index
        %parallel_loop3A_531 = tpu.vector_load %arg6[%parallel_loop3A_528, %parallel_loop3A_529, %parallel_loop3A_530] {strides = array<i32>} : memref<6x16x1024xf32, #tpu.memory_space<vmem>>, vector<1x1x16xf32>,
        %parallel_loop3A_532 = vector.shape_cast %parallel_loop3A_531 : vector<1x1x16xf32> to vector<16xf32>
        %parallel_loop3A_533 = arith.constant 3.200000e+01 : f32
        %parallel_loop3A_534 = vector.broadcast %parallel_loop3A_533 : f32 to vector<16xf32>
        %parallel_loop3A_535 = arith.mulf %parallel_loop3A_532, %parallel_loop3A_534 : vector<16xf32>
        %parallel_loop3A_536 = arith.index_cast %select_n3A_168 : i32 to index
        %parallel_loop3A_537 = arith.index_cast %parallel_loop3A_205 : i32 to index
        %parallel_loop3A_538 = arith.constant 368 : index
        %parallel_loop3A_539 = tpu.vector_load %arg6[%parallel_loop3A_536, %parallel_loop3A_537, %parallel_loop3A_538] {strides = array<i32>} : memref<6x16x1024xf32, #tpu.memory_space<vmem>>, vector<1x1x16xf32>,
        %parallel_loop3A_540 = vector.shape_cast %parallel_loop3A_539 : vector<1x1x16xf32> to vector<16xf32>
        %parallel_loop3A_541 = vector.shape_cast %parallel_loop3A_535 : vector<16xf32> to vector<1x1x16xf32>
        tpu.vector_store %arg6[%parallel_loop3A_536, %parallel_loop3A_537, %parallel_loop3A_538], %parallel_loop3A_541 {strides = array<i32>} : memref<6x16x1024xf32, #tpu.memory_space<vmem>>, vector<1x1x16xf32>,
        %parallel_loop3A_542 = arith.index_cast %select_n3A_168 : i32 to index
        %parallel_loop3A_543 = arith.index_cast %parallel_loop3A_205 : i32 to index
        %parallel_loop3A_544 = arith.constant 384 : index
        %parallel_loop3A_545 = tpu.vector_load %arg6[%parallel_loop3A_542, %parallel_loop3A_543, %parallel_loop3A_544] {strides = array<i32>} : memref<6x16x1024xf32, #tpu.memory_space<vmem>>, vector<1x1x16xf32>,
        %parallel_loop3A_546 = vector.shape_cast %parallel_loop3A_545 : vector<1x1x16xf32> to vector<16xf32>
        %parallel_loop3A_547 = arith.constant 3.200000e+01 : f32
        %parallel_loop3A_548 = vector.broadcast %parallel_loop3A_547 : f32 to vector<16xf32>
        %parallel_loop3A_549 = arith.mulf %parallel_loop3A_546, %parallel_loop3A_548 : vector<16xf32>
        %parallel_loop3A_550 = arith.index_cast %select_n3A_168 : i32 to index
        %parallel_loop3A_551 = arith.index_cast %parallel_loop3A_205 : i32 to index
        %parallel_loop3A_552 = arith.constant 384 : index
        %parallel_loop3A_553 = tpu.vector_load %arg6[%parallel_loop3A_550, %parallel_loop3A_551, %parallel_loop3A_552] {strides = array<i32>} : memref<6x16x1024xf32, #tpu.memory_space<vmem>>, vector<1x1x16xf32>,
        %parallel_loop3A_554 = vector.shape_cast %parallel_loop3A_553 : vector<1x1x16xf32> to vector<16xf32>
        %parallel_loop3A_555 = vector.shape_cast %parallel_loop3A_549 : vector<16xf32> to vector<1x1x16xf32>
        tpu.vector_store %arg6[%parallel_loop3A_550, %parallel_loop3A_551, %parallel_loop3A_552], %parallel_loop3A_555 {strides = array<i32>} : memref<6x16x1024xf32, #tpu.memory_space<vmem>>, vector<1x1x16xf32>,
        %parallel_loop3A_556 = arith.index_cast %select_n3A_168 : i32 to index
        %parallel_loop3A_557 = arith.index_cast %parallel_loop3A_205 : i32 to index
        %parallel_loop3A_558 = arith.constant 400 : index
        %parallel_loop3A_559 = tpu.vector_load %arg6[%parallel_loop3A_556, %parallel_loop3A_557, %parallel_loop3A_558] {strides = array<i32>} : memref<6x16x1024xf32, #tpu.memory_space<vmem>>, vector<1x1x16xf32>,
        %parallel_loop3A_560 = vector.shape_cast %parallel_loop3A_559 : vector<1x1x16xf32> to vector<16xf32>
        %parallel_loop3A_561 = arith.constant 3.200000e+01 : f32
        %parallel_loop3A_562 = vector.broadcast %parallel_loop3A_561 : f32 to vector<16xf32>
        %parallel_loop3A_563 = arith.mulf %parallel_loop3A_560, %parallel_loop3A_562 : vector<16xf32>
        %parallel_loop3A_564 = arith.index_cast %select_n3A_168 : i32 to index
        %parallel_loop3A_565 = arith.index_cast %parallel_loop3A_205 : i32 to index
        %parallel_loop3A_566 = arith.constant 400 : index
        %parallel_loop3A_567 = tpu.vector_load %arg6[%parallel_loop3A_564, %parallel_loop3A_565, %parallel_loop3A_566] {strides = array<i32>} : memref<6x16x1024xf32, #tpu.memory_space<vmem>>, vector<1x1x16xf32>,
        %parallel_loop3A_568 = vector.shape_cast %parallel_loop3A_567 : vector<1x1x16xf32> to vector<16xf32>
        %parallel_loop3A_569 = vector.shape_cast %parallel_loop3A_563 : vector<16xf32> to vector<1x1x16xf32>
        tpu.vector_store %arg6[%parallel_loop3A_564, %parallel_loop3A_565, %parallel_loop3A_566], %parallel_loop3A_569 {strides = array<i32>} : memref<6x16x1024xf32, #tpu.memory_space<vmem>>, vector<1x1x16xf32>,
        %parallel_loop3A_570 = arith.index_cast %select_n3A_168 : i32 to index
        %parallel_loop3A_571 = arith.index_cast %parallel_loop3A_205 : i32 to index
        %parallel_loop3A_572 = arith.constant 416 : index
        %parallel_loop3A_573 = tpu.vector_load %arg6[%parallel_loop3A_570, %parallel_loop3A_571, %parallel_loop3A_572] {strides = array<i32>} : memref<6x16x1024xf32, #tpu.memory_space<vmem>>, vector<1x1x16xf32>,
        %parallel_loop3A_574 = vector.shape_cast %parallel_loop3A_573 : vector<1x1x16xf32> to vector<16xf32>
        %parallel_loop3A_575 = arith.constant 3.200000e+01 : f32
        %parallel_loop3A_576 = vector.broadcast %parallel_loop3A_575 : f32 to vector<16xf32>
        %parallel_loop3A_577 = arith.mulf %parallel_loop3A_574, %parallel_loop3A_576 : vector<16xf32>
        %parallel_loop3A_578 = arith.index_cast %select_n3A_168 : i32 to index
        %parallel_loop3A_579 = arith.index_cast %parallel_loop3A_205 : i32 to index
        %parallel_loop3A_580 = arith.constant 416 : index
        %parallel_loop3A_581 = tpu.vector_load %arg6[%parallel_loop3A_578, %parallel_loop3A_579, %parallel_loop3A_580] {strides = array<i32>} : memref<6x16x1024xf32, #tpu.memory_space<vmem>>, vector<1x1x16xf32>,
        %parallel_loop3A_582 = vector.shape_cast %parallel_loop3A_581 : vector<1x1x16xf32> to vector<16xf32>
        %parallel_loop3A_583 = vector.shape_cast %parallel_loop3A_577 : vector<16xf32> to vector<1x1x16xf32>
        tpu.vector_store %arg6[%parallel_loop3A_578, %parallel_loop3A_579, %parallel_loop3A_580], %parallel_loop3A_583 {strides = array<i32>} : memref<6x16x1024xf32, #tpu.memory_space<vmem>>, vector<1x1x16xf32>,
        %parallel_loop3A_584 = arith.index_cast %select_n3A_168 : i32 to index
        %parallel_loop3A_585 = arith.index_cast %parallel_loop3A_205 : i32 to index
        %parallel_loop3A_586 = arith.constant 432 : index
        %parallel_loop3A_587 = tpu.vector_load %arg6[%parallel_loop3A_584, %parallel_loop3A_585, %parallel_loop3A_586] {strides = array<i32>} : memref<6x16x1024xf32, #tpu.memory_space<vmem>>, vector<1x1x16xf32>,
        %parallel_loop3A_588 = vector.shape_cast %parallel_loop3A_587 : vector<1x1x16xf32> to vector<16xf32>
        %parallel_loop3A_589 = arith.constant 3.200000e+01 : f32
        %parallel_loop3A_590 = vector.broadcast %parallel_loop3A_589 : f32 to vector<16xf32>
        %parallel_loop3A_591 = arith.mulf %parallel_loop3A_588, %parallel_loop3A_590 : vector<16xf32>
        %parallel_loop3A_592 = arith.index_cast %select_n3A_168 : i32 to index
        %parallel_loop3A_593 = arith.index_cast %parallel_loop3A_205 : i32 to index
        %parallel_loop3A_594 = arith.constant 432 : index
        %parallel_loop3A_595 = tpu.vector_load %arg6[%parallel_loop3A_592, %parallel_loop3A_593, %parallel_loop3A_594] {strides = array<i32>} : memref<6x16x1024xf32, #tpu.memory_space<vmem>>, vector<1x1x16xf32>,
        %parallel_loop3A_596 = vector.shape_cast %parallel_loop3A_595 : vector<1x1x16xf32> to vector<16xf32>
        %parallel_loop3A_597 = vector.shape_cast %parallel_loop3A_591 : vector<16xf32> to vector<1x1x16xf32>
        tpu.vector_store %arg6[%parallel_loop3A_592, %parallel_loop3A_593, %parallel_loop3A_594], %parallel_loop3A_597 {strides = array<i32>} : memref<6x16x1024xf32, #tpu.memory_space<vmem>>, vector<1x1x16xf32>,
        %parallel_loop3A_598 = arith.index_cast %select_n3A_168 : i32 to index
        %parallel_loop3A_599 = arith.index_cast %parallel_loop3A_205 : i32 to index
        %parallel_loop3A_600 = arith.constant 448 : index
        %parallel_loop3A_601 = tpu.vector_load %arg6[%parallel_loop3A_598, %parallel_loop3A_599, %parallel_loop3A_600] {strides = array<i32>} : memref<6x16x1024xf32, #tpu.memory_space<vmem>>, vector<1x1x16xf32>,
        %parallel_loop3A_602 = vector.shape_cast %parallel_loop3A_601 : vector<1x1x16xf32> to vector<16xf32>
        %parallel_loop3A_603 = arith.constant 3.200000e+01 : f32
        %parallel_loop3A_604 = vector.broadcast %parallel_loop3A_603 : f32 to vector<16xf32>
        %parallel_loop3A_605 = arith.mulf %parallel_loop3A_602, %parallel_loop3A_604 : vector<16xf32>
        %parallel_loop3A_606 = arith.index_cast %select_n3A_168 : i32 to index
        %parallel_loop3A_607 = arith.index_cast %parallel_loop3A_205 : i32 to index
        %parallel_loop3A_608 = arith.constant 448 : index
        %parallel_loop3A_609 = tpu.vector_load %arg6[%parallel_loop3A_606, %parallel_loop3A_607, %parallel_loop3A_608] {strides = array<i32>} : memref<6x16x1024xf32, #tpu.memory_space<vmem>>, vector<1x1x16xf32>,
        %parallel_loop3A_610 = vector.shape_cast %parallel_loop3A_609 : vector<1x1x16xf32> to vector<16xf32>
        %parallel_loop3A_611 = vector.shape_cast %parallel_loop3A_605 : vector<16xf32> to vector<1x1x16xf32>
        tpu.vector_store %arg6[%parallel_loop3A_606, %parallel_loop3A_607, %parallel_loop3A_608], %parallel_loop3A_611 {strides = array<i32>} : memref<6x16x1024xf32, #tpu.memory_space<vmem>>, vector<1x1x16xf32>,
        %parallel_loop3A_612 = arith.index_cast %select_n3A_168 : i32 to index
        %parallel_loop3A_613 = arith.index_cast %parallel_loop3A_205 : i32 to index
        %parallel_loop3A_614 = arith.constant 464 : index
        %parallel_loop3A_615 = tpu.vector_load %arg6[%parallel_loop3A_612, %parallel_loop3A_613, %parallel_loop3A_614] {strides = array<i32>} : memref<6x16x1024xf32, #tpu.memory_space<vmem>>, vector<1x1x16xf32>,
        %parallel_loop3A_616 = vector.shape_cast %parallel_loop3A_615 : vector<1x1x16xf32> to vector<16xf32>
        %parallel_loop3A_617 = arith.constant 3.200000e+01 : f32
        %parallel_loop3A_618 = vector.broadcast %parallel_loop3A_617 : f32 to vector<16xf32>
        %parallel_loop3A_619 = arith.mulf %parallel_loop3A_616, %parallel_loop3A_618 : vector<16xf32>
        %parallel_loop3A_620 = arith.index_cast %select_n3A_168 : i32 to index
        %parallel_loop3A_621 = arith.index_cast %parallel_loop3A_205 : i32 to index
        %parallel_loop3A_622 = arith.constant 464 : index
        %parallel_loop3A_623 = tpu.vector_load %arg6[%parallel_loop3A_620, %parallel_loop3A_621, %parallel_loop3A_622] {strides = array<i32>} : memref<6x16x1024xf32, #tpu.memory_space<vmem>>, vector<1x1x16xf32>,
        %parallel_loop3A_624 = vector.shape_cast %parallel_loop3A_623 : vector<1x1x16xf32> to vector<16xf32>
        %parallel_loop3A_625 = vector.shape_cast %parallel_loop3A_619 : vector<16xf32> to vector<1x1x16xf32>
        tpu.vector_store %arg6[%parallel_loop3A_620, %parallel_loop3A_621, %parallel_loop3A_622], %parallel_loop3A_625 {strides = array<i32>} : memref<6x16x1024xf32, #tpu.memory_space<vmem>>, vector<1x1x16xf32>,
        %parallel_loop3A_626 = arith.index_cast %select_n3A_168 : i32 to index
        %parallel_loop3A_627 = arith.index_cast %parallel_loop3A_205 : i32 to index
        %parallel_loop3A_628 = arith.constant 480 : index
        %parallel_loop3A_629 = tpu.vector_load %arg6[%parallel_loop3A_626, %parallel_loop3A_627, %parallel_loop3A_628] {strides = array<i32>} : memref<6x16x1024xf32, #tpu.memory_space<vmem>>, vector<1x1x16xf32>,
        %parallel_loop3A_630 = vector.shape_cast %parallel_loop3A_629 : vector<1x1x16xf32> to vector<16xf32>
        %parallel_loop3A_631 = arith.constant 3.200000e+01 : f32
        %parallel_loop3A_632 = vector.broadcast %parallel_loop3A_631 : f32 to vector<16xf32>
        %parallel_loop3A_633 = arith.mulf %parallel_loop3A_630, %parallel_loop3A_632 : vector<16xf32>
        %parallel_loop3A_634 = arith.index_cast %select_n3A_168 : i32 to index
        %parallel_loop3A_635 = arith.index_cast %parallel_loop3A_205 : i32 to index
        %parallel_loop3A_636 = arith.constant 480 : index
        %parallel_loop3A_637 = tpu.vector_load %arg6[%parallel_loop3A_634, %parallel_loop3A_635, %parallel_loop3A_636] {strides = array<i32>} : memref<6x16x1024xf32, #tpu.memory_space<vmem>>, vector<1x1x16xf32>,
        %parallel_loop3A_638 = vector.shape_cast %parallel_loop3A_637 : vector<1x1x16xf32> to vector<16xf32>
        %parallel_loop3A_639 = vector.shape_cast %parallel_loop3A_633 : vector<16xf32> to vector<1x1x16xf32>
        tpu.vector_store %arg6[%parallel_loop3A_634, %parallel_loop3A_635, %parallel_loop3A_636], %parallel_loop3A_639 {strides = array<i32>} : memref<6x16x1024xf32, #tpu.memory_space<vmem>>, vector<1x1x16xf32>,
        %parallel_loop3A_640 = arith.index_cast %select_n3A_168 : i32 to index
        %parallel_loop3A_641 = arith.index_cast %parallel_loop3A_205 : i32 to index
        %parallel_loop3A_642 = arith.constant 496 : index
        %parallel_loop3A_643 = tpu.vector_load %arg6[%parallel_loop3A_640, %parallel_loop3A_641, %parallel_loop3A_642] {strides = array<i32>} : memref<6x16x1024xf32, #tpu.memory_space<vmem>>, vector<1x1x16xf32>,
        %parallel_loop3A_644 = vector.shape_cast %parallel_loop3A_643 : vector<1x1x16xf32> to vector<16xf32>
        %parallel_loop3A_645 = arith.constant 3.200000e+01 : f32
        %parallel_loop3A_646 = vector.broadcast %parallel_loop3A_645 : f32 to vector<16xf32>
        %parallel_loop3A_647 = arith.mulf %parallel_loop3A_644, %parallel_loop3A_646 : vector<16xf32>
        %parallel_loop3A_648 = arith.index_cast %select_n3A_168 : i32 to index
        %parallel_loop3A_649 = arith.index_cast %parallel_loop3A_205 : i32 to index
        %parallel_loop3A_650 = arith.constant 496 : index
        %parallel_loop3A_651 = tpu.vector_load %arg6[%parallel_loop3A_648, %parallel_loop3A_649, %parallel_loop3A_650] {strides = array<i32>} : memref<6x16x1024xf32, #tpu.memory_space<vmem>>, vector<1x1x16xf32>,
        %parallel_loop3A_652 = vector.shape_cast %parallel_loop3A_651 : vector<1x1x16xf32> to vector<16xf32>
        %parallel_loop3A_653 = vector.shape_cast %parallel_loop3A_647 : vector<16xf32> to vector<1x1x16xf32>
        tpu.vector_store %arg6[%parallel_loop3A_648, %parallel_loop3A_649, %parallel_loop3A_650], %parallel_loop3A_653 {strides = array<i32>} : memref<6x16x1024xf32, #tpu.memory_space<vmem>>, vector<1x1x16xf32>,
        %parallel_loop3A_654 = arith.index_cast %select_n3A_168 : i32 to index
        %parallel_loop3A_655 = arith.index_cast %parallel_loop3A_205 : i32 to index
        %parallel_loop3A_656 = arith.constant 512 : index
        %parallel_loop3A_657 = tpu.vector_load %arg6[%parallel_loop3A_654, %parallel_loop3A_655, %parallel_loop3A_656] {strides = array<i32>} : memref<6x16x1024xf32, #tpu.memory_space<vmem>>, vector<1x1x16xf32>,
        %parallel_loop3A_658 = vector.shape_cast %parallel_loop3A_657 : vector<1x1x16xf32> to vector<16xf32>
        %parallel_loop3A_659 = arith.constant 3.200000e+01 : f32
        %parallel_loop3A_660 = vector.broadcast %parallel_loop3A_659 : f32 to vector<16xf32>
        %parallel_loop3A_661 = arith.mulf %parallel_loop3A_658, %parallel_loop3A_660 : vector<16xf32>
        %parallel_loop3A_662 = arith.index_cast %select_n3A_168 : i32 to index
        %parallel_loop3A_663 = arith.index_cast %parallel_loop3A_205 : i32 to index
        %parallel_loop3A_664 = arith.constant 512 : index
        %parallel_loop3A_665 = tpu.vector_load %arg6[%parallel_loop3A_662, %parallel_loop3A_663, %parallel_loop3A_664] {strides = array<i32>} : memref<6x16x1024xf32, #tpu.memory_space<vmem>>, vector<1x1x16xf32>,
        %parallel_loop3A_666 = vector.shape_cast %parallel_loop3A_665 : vector<1x1x16xf32> to vector<16xf32>
        %parallel_loop3A_667 = vector.shape_cast %parallel_loop3A_661 : vector<16xf32> to vector<1x1x16xf32>
        tpu.vector_store %arg6[%parallel_loop3A_662, %parallel_loop3A_663, %parallel_loop3A_664], %parallel_loop3A_667 {strides = array<i32>} : memref<6x16x1024xf32, #tpu.memory_space<vmem>>, vector<1x1x16xf32>,
        %parallel_loop3A_668 = arith.index_cast %select_n3A_168 : i32 to index
        %parallel_loop3A_669 = arith.index_cast %parallel_loop3A_205 : i32 to index
        %parallel_loop3A_670 = arith.constant 528 : index
        %parallel_loop3A_671 = tpu.vector_load %arg6[%parallel_loop3A_668, %parallel_loop3A_669, %parallel_loop3A_670] {strides = array<i32>} : memref<6x16x1024xf32, #tpu.memory_space<vmem>>, vector<1x1x16xf32>,
        %parallel_loop3A_672 = vector.shape_cast %parallel_loop3A_671 : vector<1x1x16xf32> to vector<16xf32>
        %parallel_loop3A_673 = arith.constant 3.200000e+01 : f32
        %parallel_loop3A_674 = vector.broadcast %parallel_loop3A_673 : f32 to vector<16xf32>
        %parallel_loop3A_675 = arith.mulf %parallel_loop3A_672, %parallel_loop3A_674 : vector<16xf32>
        %parallel_loop3A_676 = arith.index_cast %select_n3A_168 : i32 to index
        %parallel_loop3A_677 = arith.index_cast %parallel_loop3A_205 : i32 to index
        %parallel_loop3A_678 = arith.constant 528 : index
        %parallel_loop3A_679 = tpu.vector_load %arg6[%parallel_loop3A_676, %parallel_loop3A_677, %parallel_loop3A_678] {strides = array<i32>} : memref<6x16x1024xf32, #tpu.memory_space<vmem>>, vector<1x1x16xf32>,
        %parallel_loop3A_680 = vector.shape_cast %parallel_loop3A_679 : vector<1x1x16xf32> to vector<16xf32>
        %parallel_loop3A_681 = vector.shape_cast %parallel_loop3A_675 : vector<16xf32> to vector<1x1x16xf32>
        tpu.vector_store %arg6[%parallel_loop3A_676, %parallel_loop3A_677, %parallel_loop3A_678], %parallel_loop3A_681 {strides = array<i32>} : memref<6x16x1024xf32, #tpu.memory_space<vmem>>, vector<1x1x16xf32>,
        %parallel_loop3A_682 = arith.index_cast %select_n3A_168 : i32 to index
        %parallel_loop3A_683 = arith.index_cast %parallel_loop3A_205 : i32 to index
        %parallel_loop3A_684 = arith.constant 544 : index
        %parallel_loop3A_685 = tpu.vector_load %arg6[%parallel_loop3A_682, %parallel_loop3A_683, %parallel_loop3A_684] {strides = array<i32>} : memref<6x16x1024xf32, #tpu.memory_space<vmem>>, vector<1x1x16xf32>,
        %parallel_loop3A_686 = vector.shape_cast %parallel_loop3A_685 : vector<1x1x16xf32> to vector<16xf32>
        %parallel_loop3A_687 = arith.constant 3.200000e+01 : f32
        %parallel_loop3A_688 = vector.broadcast %parallel_loop3A_687 : f32 to vector<16xf32>
        %parallel_loop3A_689 = arith.mulf %parallel_loop3A_686, %parallel_loop3A_688 : vector<16xf32>
        %parallel_loop3A_690 = arith.index_cast %select_n3A_168 : i32 to index
        %parallel_loop3A_691 = arith.index_cast %parallel_loop3A_205 : i32 to index
        %parallel_loop3A_692 = arith.constant 544 : index
        %parallel_loop3A_693 = tpu.vector_load %arg6[%parallel_loop3A_690, %parallel_loop3A_691, %parallel_loop3A_692] {strides = array<i32>} : memref<6x16x1024xf32, #tpu.memory_space<vmem>>, vector<1x1x16xf32>,
        %parallel_loop3A_694 = vector.shape_cast %parallel_loop3A_693 : vector<1x1x16xf32> to vector<16xf32>
        %parallel_loop3A_695 = vector.shape_cast %parallel_loop3A_689 : vector<16xf32> to vector<1x1x16xf32>
        tpu.vector_store %arg6[%parallel_loop3A_690, %parallel_loop3A_691, %parallel_loop3A_692], %parallel_loop3A_695 {strides = array<i32>} : memref<6x16x1024xf32, #tpu.memory_space<vmem>>, vector<1x1x16xf32>,
        %parallel_loop3A_696 = arith.index_cast %select_n3A_168 : i32 to index
        %parallel_loop3A_697 = arith.index_cast %parallel_loop3A_205 : i32 to index
        %parallel_loop3A_698 = arith.constant 560 : index
        %parallel_loop3A_699 = tpu.vector_load %arg6[%parallel_loop3A_696, %parallel_loop3A_697, %parallel_loop3A_698] {strides = array<i32>} : memref<6x16x1024xf32, #tpu.memory_space<vmem>>, vector<1x1x16xf32>,
        %parallel_loop3A_700 = vector.shape_cast %parallel_loop3A_699 : vector<1x1x16xf32> to vector<16xf32>
        %parallel_loop3A_701 = arith.constant 3.200000e+01 : f32
        %parallel_loop3A_702 = vector.broadcast %parallel_loop3A_701 : f32 to vector<16xf32>
        %parallel_loop3A_703 = arith.mulf %parallel_loop3A_700, %parallel_loop3A_702 : vector<16xf32>
        %parallel_loop3A_704 = arith.index_cast %select_n3A_168 : i32 to index
        %parallel_loop3A_705 = arith.index_cast %parallel_loop3A_205 : i32 to index
        %parallel_loop3A_706 = arith.constant 560 : index
        %parallel_loop3A_707 = tpu.vector_load %arg6[%parallel_loop3A_704, %parallel_loop3A_705, %parallel_loop3A_706] {strides = array<i32>} : memref<6x16x1024xf32, #tpu.memory_space<vmem>>, vector<1x1x16xf32>,
        %parallel_loop3A_708 = vector.shape_cast %parallel_loop3A_707 : vector<1x1x16xf32> to vector<16xf32>
        %parallel_loop3A_709 = vector.shape_cast %parallel_loop3A_703 : vector<16xf32> to vector<1x1x16xf32>
        tpu.vector_store %arg6[%parallel_loop3A_704, %parallel_loop3A_705, %parallel_loop3A_706], %parallel_loop3A_709 {strides = array<i32>} : memref<6x16x1024xf32, #tpu.memory_space<vmem>>, vector<1x1x16xf32>,
        %parallel_loop3A_710 = arith.index_cast %select_n3A_168 : i32 to index
        %parallel_loop3A_711 = arith.index_cast %parallel_loop3A_205 : i32 to index
        %parallel_loop3A_712 = arith.constant 576 : index
        %parallel_loop3A_713 = tpu.vector_load %arg6[%parallel_loop3A_710, %parallel_loop3A_711, %parallel_loop3A_712] {strides = array<i32>} : memref<6x16x1024xf32, #tpu.memory_space<vmem>>, vector<1x1x16xf32>,
        %parallel_loop3A_714 = vector.shape_cast %parallel_loop3A_713 : vector<1x1x16xf32> to vector<16xf32>
        %parallel_loop3A_715 = arith.constant 3.200000e+01 : f32
        %parallel_loop3A_716 = vector.broadcast %parallel_loop3A_715 : f32 to vector<16xf32>
        %parallel_loop3A_717 = arith.mulf %parallel_loop3A_714, %parallel_loop3A_716 : vector<16xf32>
        %parallel_loop3A_718 = arith.index_cast %select_n3A_168 : i32 to index
        %parallel_loop3A_719 = arith.index_cast %parallel_loop3A_205 : i32 to index
        %parallel_loop3A_720 = arith.constant 576 : index
        %parallel_loop3A_721 = tpu.vector_load %arg6[%parallel_loop3A_718, %parallel_loop3A_719, %parallel_loop3A_720] {strides = array<i32>} : memref<6x16x1024xf32, #tpu.memory_space<vmem>>, vector<1x1x16xf32>,
        %parallel_loop3A_722 = vector.shape_cast %parallel_loop3A_721 : vector<1x1x16xf32> to vector<16xf32>
        %parallel_loop3A_723 = vector.shape_cast %parallel_loop3A_717 : vector<16xf32> to vector<1x1x16xf32>
        tpu.vector_store %arg6[%parallel_loop3A_718, %parallel_loop3A_719, %parallel_loop3A_720], %parallel_loop3A_723 {strides = array<i32>} : memref<6x16x1024xf32, #tpu.memory_space<vmem>>, vector<1x1x16xf32>,
        %parallel_loop3A_724 = arith.index_cast %select_n3A_168 : i32 to index
        %parallel_loop3A_725 = arith.index_cast %parallel_loop3A_205 : i32 to index
        %parallel_loop3A_726 = arith.constant 592 : index
        %parallel_loop3A_727 = tpu.vector_load %arg6[%parallel_loop3A_724, %parallel_loop3A_725, %parallel_loop3A_726] {strides = array<i32>} : memref<6x16x1024xf32, #tpu.memory_space<vmem>>, vector<1x1x16xf32>,
        %parallel_loop3A_728 = vector.shape_cast %parallel_loop3A_727 : vector<1x1x16xf32> to vector<16xf32>
        %parallel_loop3A_729 = arith.constant 3.200000e+01 : f32
        %parallel_loop3A_730 = vector.broadcast %parallel_loop3A_729 : f32 to vector<16xf32>
        %parallel_loop3A_731 = arith.mulf %parallel_loop3A_728, %parallel_loop3A_730 : vector<16xf32>
        %parallel_loop3A_732 = arith.index_cast %select_n3A_168 : i32 to index
        %parallel_loop3A_733 = arith.index_cast %parallel_loop3A_205 : i32 to index
        %parallel_loop3A_734 = arith.constant 592 : index
        %parallel_loop3A_735 = tpu.vector_load %arg6[%parallel_loop3A_732, %parallel_loop3A_733, %parallel_loop3A_734] {strides = array<i32>} : memref<6x16x1024xf32, #tpu.memory_space<vmem>>, vector<1x1x16xf32>,
        %parallel_loop3A_736 = vector.shape_cast %parallel_loop3A_735 : vector<1x1x16xf32> to vector<16xf32>
        %parallel_loop3A_737 = vector.shape_cast %parallel_loop3A_731 : vector<16xf32> to vector<1x1x16xf32>
        tpu.vector_store %arg6[%parallel_loop3A_732, %parallel_loop3A_733, %parallel_loop3A_734], %parallel_loop3A_737 {strides = array<i32>} : memref<6x16x1024xf32, #tpu.memory_space<vmem>>, vector<1x1x16xf32>,
        %parallel_loop3A_738 = arith.index_cast %select_n3A_168 : i32 to index
        %parallel_loop3A_739 = arith.index_cast %parallel_loop3A_205 : i32 to index
        %parallel_loop3A_740 = arith.constant 608 : index
        %parallel_loop3A_741 = tpu.vector_load %arg6[%parallel_loop3A_738, %parallel_loop3A_739, %parallel_loop3A_740] {strides = array<i32>} : memref<6x16x1024xf32, #tpu.memory_space<vmem>>, vector<1x1x16xf32>,
        %parallel_loop3A_742 = vector.shape_cast %parallel_loop3A_741 : vector<1x1x16xf32> to vector<16xf32>
        %parallel_loop3A_743 = arith.constant 3.200000e+01 : f32
        %parallel_loop3A_744 = vector.broadcast %parallel_loop3A_743 : f32 to vector<16xf32>
        %parallel_loop3A_745 = arith.mulf %parallel_loop3A_742, %parallel_loop3A_744 : vector<16xf32>
        %parallel_loop3A_746 = arith.index_cast %select_n3A_168 : i32 to index
        %parallel_loop3A_747 = arith.index_cast %parallel_loop3A_205 : i32 to index
        %parallel_loop3A_748 = arith.constant 608 : index
        %parallel_loop3A_749 = tpu.vector_load %arg6[%parallel_loop3A_746, %parallel_loop3A_747, %parallel_loop3A_748] {strides = array<i32>} : memref<6x16x1024xf32, #tpu.memory_space<vmem>>, vector<1x1x16xf32>,
        %parallel_loop3A_750 = vector.shape_cast %parallel_loop3A_749 : vector<1x1x16xf32> to vector<16xf32>
        %parallel_loop3A_751 = vector.shape_cast %parallel_loop3A_745 : vector<16xf32> to vector<1x1x16xf32>
        tpu.vector_store %arg6[%parallel_loop3A_746, %parallel_loop3A_747, %parallel_loop3A_748], %parallel_loop3A_751 {strides = array<i32>} : memref<6x16x1024xf32, #tpu.memory_space<vmem>>, vector<1x1x16xf32>,
        %parallel_loop3A_752 = arith.index_cast %select_n3A_168 : i32 to index
        %parallel_loop3A_753 = arith.index_cast %parallel_loop3A_205 : i32 to index
        %parallel_loop3A_754 = arith.constant 624 : index
        %parallel_loop3A_755 = tpu.vector_load %arg6[%parallel_loop3A_752, %parallel_loop3A_753, %parallel_loop3A_754] {strides = array<i32>} : memref<6x16x1024xf32, #tpu.memory_space<vmem>>, vector<1x1x16xf32>,
        %parallel_loop3A_756 = vector.shape_cast %parallel_loop3A_755 : vector<1x1x16xf32> to vector<16xf32>
        %parallel_loop3A_757 = arith.constant 3.200000e+01 : f32
        %parallel_loop3A_758 = vector.broadcast %parallel_loop3A_757 : f32 to vector<16xf32>
        %parallel_loop3A_759 = arith.mulf %parallel_loop3A_756, %parallel_loop3A_758 : vector<16xf32>
        %parallel_loop3A_760 = arith.index_cast %select_n3A_168 : i32 to index
        %parallel_loop3A_761 = arith.index_cast %parallel_loop3A_205 : i32 to index
        %parallel_loop3A_762 = arith.constant 624 : index
        %parallel_loop3A_763 = tpu.vector_load %arg6[%parallel_loop3A_760, %parallel_loop3A_761, %parallel_loop3A_762] {strides = array<i32>} : memref<6x16x1024xf32, #tpu.memory_space<vmem>>, vector<1x1x16xf32>,
        %parallel_loop3A_764 = vector.shape_cast %parallel_loop3A_763 : vector<1x1x16xf32> to vector<16xf32>
        %parallel_loop3A_765 = vector.shape_cast %parallel_loop3A_759 : vector<16xf32> to vector<1x1x16xf32>
        tpu.vector_store %arg6[%parallel_loop3A_760, %parallel_loop3A_761, %parallel_loop3A_762], %parallel_loop3A_765 {strides = array<i32>} : memref<6x16x1024xf32, #tpu.memory_space<vmem>>, vector<1x1x16xf32>,
        %parallel_loop3A_766 = arith.index_cast %select_n3A_168 : i32 to index
        %parallel_loop3A_767 = arith.index_cast %parallel_loop3A_205 : i32 to index
        %parallel_loop3A_768 = arith.constant 640 : index
        %parallel_loop3A_769 = tpu.vector_load %arg6[%parallel_loop3A_766, %parallel_loop3A_767, %parallel_loop3A_768] {strides = array<i32>} : memref<6x16x1024xf32, #tpu.memory_space<vmem>>, vector<1x1x16xf32>,
        %parallel_loop3A_770 = vector.shape_cast %parallel_loop3A_769 : vector<1x1x16xf32> to vector<16xf32>
        %parallel_loop3A_771 = arith.constant 3.200000e+01 : f32
        %parallel_loop3A_772 = vector.broadcast %parallel_loop3A_771 : f32 to vector<16xf32>
        %parallel_loop3A_773 = arith.mulf %parallel_loop3A_770, %parallel_loop3A_772 : vector<16xf32>
        %parallel_loop3A_774 = arith.index_cast %select_n3A_168 : i32 to index
        %parallel_loop3A_775 = arith.index_cast %parallel_loop3A_205 : i32 to index
        %parallel_loop3A_776 = arith.constant 640 : index
        %parallel_loop3A_777 = tpu.vector_load %arg6[%parallel_loop3A_774, %parallel_loop3A_775, %parallel_loop3A_776] {strides = array<i32>} : memref<6x16x1024xf32, #tpu.memory_space<vmem>>, vector<1x1x16xf32>,
        %parallel_loop3A_778 = vector.shape_cast %parallel_loop3A_777 : vector<1x1x16xf32> to vector<16xf32>
        %parallel_loop3A_779 = vector.shape_cast %parallel_loop3A_773 : vector<16xf32> to vector<1x1x16xf32>
        tpu.vector_store %arg6[%parallel_loop3A_774, %parallel_loop3A_775, %parallel_loop3A_776], %parallel_loop3A_779 {strides = array<i32>} : memref<6x16x1024xf32, #tpu.memory_space<vmem>>, vector<1x1x16xf32>,
        %parallel_loop3A_780 = arith.index_cast %select_n3A_168 : i32 to index
        %parallel_loop3A_781 = arith.index_cast %parallel_loop3A_205 : i32 to index
        %parallel_loop3A_782 = arith.constant 656 : index
        %parallel_loop3A_783 = tpu.vector_load %arg6[%parallel_loop3A_780, %parallel_loop3A_781, %parallel_loop3A_782] {strides = array<i32>} : memref<6x16x1024xf32, #tpu.memory_space<vmem>>, vector<1x1x16xf32>,
        %parallel_loop3A_784 = vector.shape_cast %parallel_loop3A_783 : vector<1x1x16xf32> to vector<16xf32>
        %parallel_loop3A_785 = arith.constant 3.200000e+01 : f32
        %parallel_loop3A_786 = vector.broadcast %parallel_loop3A_785 : f32 to vector<16xf32>
        %parallel_loop3A_787 = arith.mulf %parallel_loop3A_784, %parallel_loop3A_786 : vector<16xf32>
        %parallel_loop3A_788 = arith.index_cast %select_n3A_168 : i32 to index
        %parallel_loop3A_789 = arith.index_cast %parallel_loop3A_205 : i32 to index
        %parallel_loop3A_790 = arith.constant 656 : index
        %parallel_loop3A_791 = tpu.vector_load %arg6[%parallel_loop3A_788, %parallel_loop3A_789, %parallel_loop3A_790] {strides = array<i32>} : memref<6x16x1024xf32, #tpu.memory_space<vmem>>, vector<1x1x16xf32>,
        %parallel_loop3A_792 = vector.shape_cast %parallel_loop3A_791 : vector<1x1x16xf32> to vector<16xf32>
        %parallel_loop3A_793 = vector.shape_cast %parallel_loop3A_787 : vector<16xf32> to vector<1x1x16xf32>
        tpu.vector_store %arg6[%parallel_loop3A_788, %parallel_loop3A_789, %parallel_loop3A_790], %parallel_loop3A_793 {strides = array<i32>} : memref<6x16x1024xf32, #tpu.memory_space<vmem>>, vector<1x1x16xf32>,
        %parallel_loop3A_794 = arith.index_cast %select_n3A_168 : i32 to index
        %parallel_loop3A_795 = arith.index_cast %parallel_loop3A_205 : i32 to index
        %parallel_loop3A_796 = arith.constant 672 : index
        %parallel_loop3A_797 = tpu.vector_load %arg6[%parallel_loop3A_794, %parallel_loop3A_795, %parallel_loop3A_796] {strides = array<i32>} : memref<6x16x1024xf32, #tpu.memory_space<vmem>>, vector<1x1x16xf32>,
        %parallel_loop3A_798 = vector.shape_cast %parallel_loop3A_797 : vector<1x1x16xf32> to vector<16xf32>
        %parallel_loop3A_799 = arith.constant 3.200000e+01 : f32
        %parallel_loop3A_800 = vector.broadcast %parallel_loop3A_799 : f32 to vector<16xf32>
        %parallel_loop3A_801 = arith.mulf %parallel_loop3A_798, %parallel_loop3A_800 : vector<16xf32>
        %parallel_loop3A_802 = arith.index_cast %select_n3A_168 : i32 to index
        %parallel_loop3A_803 = arith.index_cast %parallel_loop3A_205 : i32 to index
        %parallel_loop3A_804 = arith.constant 672 : index
        %parallel_loop3A_805 = tpu.vector_load %arg6[%parallel_loop3A_802, %parallel_loop3A_803, %parallel_loop3A_804] {strides = array<i32>} : memref<6x16x1024xf32, #tpu.memory_space<vmem>>, vector<1x1x16xf32>,
        %parallel_loop3A_806 = vector.shape_cast %parallel_loop3A_805 : vector<1x1x16xf32> to vector<16xf32>
        %parallel_loop3A_807 = vector.shape_cast %parallel_loop3A_801 : vector<16xf32> to vector<1x1x16xf32>
        tpu.vector_store %arg6[%parallel_loop3A_802, %parallel_loop3A_803, %parallel_loop3A_804], %parallel_loop3A_807 {strides = array<i32>} : memref<6x16x1024xf32, #tpu.memory_space<vmem>>, vector<1x1x16xf32>,
        %parallel_loop3A_808 = arith.index_cast %select_n3A_168 : i32 to index
        %parallel_loop3A_809 = arith.index_cast %parallel_loop3A_205 : i32 to index
        %parallel_loop3A_810 = arith.constant 688 : index
        %parallel_loop3A_811 = tpu.vector_load %arg6[%parallel_loop3A_808, %parallel_loop3A_809, %parallel_loop3A_810] {strides = array<i32>} : memref<6x16x1024xf32, #tpu.memory_space<vmem>>, vector<1x1x16xf32>,
        %parallel_loop3A_812 = vector.shape_cast %parallel_loop3A_811 : vector<1x1x16xf32> to vector<16xf32>
        %parallel_loop3A_813 = arith.constant 3.200000e+01 : f32
        %parallel_loop3A_814 = vector.broadcast %parallel_loop3A_813 : f32 to vector<16xf32>
        %parallel_loop3A_815 = arith.mulf %parallel_loop3A_812, %parallel_loop3A_814 : vector<16xf32>
        %parallel_loop3A_816 = arith.index_cast %select_n3A_168 : i32 to index
        %parallel_loop3A_817 = arith.index_cast %parallel_loop3A_205 : i32 to index
        %parallel_loop3A_818 = arith.constant 688 : index
        %parallel_loop3A_819 = tpu.vector_load %arg6[%parallel_loop3A_816, %parallel_loop3A_817, %parallel_loop3A_818] {strides = array<i32>} : memref<6x16x1024xf32, #tpu.memory_space<vmem>>, vector<1x1x16xf32>,
        %parallel_loop3A_820 = vector.shape_cast %parallel_loop3A_819 : vector<1x1x16xf32> to vector<16xf32>
        %parallel_loop3A_821 = vector.shape_cast %parallel_loop3A_815 : vector<16xf32> to vector<1x1x16xf32>
        tpu.vector_store %arg6[%parallel_loop3A_816, %parallel_loop3A_817, %parallel_loop3A_818], %parallel_loop3A_821 {strides = array<i32>} : memref<6x16x1024xf32, #tpu.memory_space<vmem>>, vector<1x1x16xf32>,
        %parallel_loop3A_822 = arith.index_cast %select_n3A_168 : i32 to index
        %parallel_loop3A_823 = arith.index_cast %parallel_loop3A_205 : i32 to index
        %parallel_loop3A_824 = arith.constant 704 : index
        %parallel_loop3A_825 = tpu.vector_load %arg6[%parallel_loop3A_822, %parallel_loop3A_823, %parallel_loop3A_824] {strides = array<i32>} : memref<6x16x1024xf32, #tpu.memory_space<vmem>>, vector<1x1x16xf32>,
        %parallel_loop3A_826 = vector.shape_cast %parallel_loop3A_825 : vector<1x1x16xf32> to vector<16xf32>
        %parallel_loop3A_827 = arith.constant 3.200000e+01 : f32
        %parallel_loop3A_828 = vector.broadcast %parallel_loop3A_827 : f32 to vector<16xf32>
        %parallel_loop3A_829 = arith.mulf %parallel_loop3A_826, %parallel_loop3A_828 : vector<16xf32>
        %parallel_loop3A_830 = arith.index_cast %select_n3A_168 : i32 to index
        %parallel_loop3A_831 = arith.index_cast %parallel_loop3A_205 : i32 to index
        %parallel_loop3A_832 = arith.constant 704 : index
        %parallel_loop3A_833 = tpu.vector_load %arg6[%parallel_loop3A_830, %parallel_loop3A_831, %parallel_loop3A_832] {strides = array<i32>} : memref<6x16x1024xf32, #tpu.memory_space<vmem>>, vector<1x1x16xf32>,
        %parallel_loop3A_834 = vector.shape_cast %parallel_loop3A_833 : vector<1x1x16xf32> to vector<16xf32>
        %parallel_loop3A_835 = vector.shape_cast %parallel_loop3A_829 : vector<16xf32> to vector<1x1x16xf32>
        tpu.vector_store %arg6[%parallel_loop3A_830, %parallel_loop3A_831, %parallel_loop3A_832], %parallel_loop3A_835 {strides = array<i32>} : memref<6x16x1024xf32, #tpu.memory_space<vmem>>, vector<1x1x16xf32>,
        %parallel_loop3A_836 = arith.index_cast %select_n3A_168 : i32 to index
        %parallel_loop3A_837 = arith.index_cast %parallel_loop3A_205 : i32 to index
        %parallel_loop3A_838 = arith.constant 720 : index
        %parallel_loop3A_839 = tpu.vector_load %arg6[%parallel_loop3A_836, %parallel_loop3A_837, %parallel_loop3A_838] {strides = array<i32>} : memref<6x16x1024xf32, #tpu.memory_space<vmem>>, vector<1x1x16xf32>,
        %parallel_loop3A_840 = vector.shape_cast %parallel_loop3A_839 : vector<1x1x16xf32> to vector<16xf32>
        %parallel_loop3A_841 = arith.constant 3.200000e+01 : f32
        %parallel_loop3A_842 = vector.broadcast %parallel_loop3A_841 : f32 to vector<16xf32>
        %parallel_loop3A_843 = arith.mulf %parallel_loop3A_840, %parallel_loop3A_842 : vector<16xf32>
        %parallel_loop3A_844 = arith.index_cast %select_n3A_168 : i32 to index
        %parallel_loop3A_845 = arith.index_cast %parallel_loop3A_205 : i32 to index
        %parallel_loop3A_846 = arith.constant 720 : index
        %parallel_loop3A_847 = tpu.vector_load %arg6[%parallel_loop3A_844, %parallel_loop3A_845, %parallel_loop3A_846] {strides = array<i32>} : memref<6x16x1024xf32, #tpu.memory_space<vmem>>, vector<1x1x16xf32>,
        %parallel_loop3A_848 = vector.shape_cast %parallel_loop3A_847 : vector<1x1x16xf32> to vector<16xf32>
        %parallel_loop3A_849 = vector.shape_cast %parallel_loop3A_843 : vector<16xf32> to vector<1x1x16xf32>
        tpu.vector_store %arg6[%parallel_loop3A_844, %parallel_loop3A_845, %parallel_loop3A_846], %parallel_loop3A_849 {strides = array<i32>} : memref<6x16x1024xf32, #tpu.memory_space<vmem>>, vector<1x1x16xf32>,
        %parallel_loop3A_850 = arith.index_cast %select_n3A_168 : i32 to index
        %parallel_loop3A_851 = arith.index_cast %parallel_loop3A_205 : i32 to index
        %parallel_loop3A_852 = arith.constant 736 : index
        %parallel_loop3A_853 = tpu.vector_load %arg6[%parallel_loop3A_850, %parallel_loop3A_851, %parallel_loop3A_852] {strides = array<i32>} : memref<6x16x1024xf32, #tpu.memory_space<vmem>>, vector<1x1x16xf32>,
        %parallel_loop3A_854 = vector.shape_cast %parallel_loop3A_853 : vector<1x1x16xf32> to vector<16xf32>
        %parallel_loop3A_855 = arith.constant 3.200000e+01 : f32
        %parallel_loop3A_856 = vector.broadcast %parallel_loop3A_855 : f32 to vector<16xf32>
        %parallel_loop3A_857 = arith.mulf %parallel_loop3A_854, %parallel_loop3A_856 : vector<16xf32>
        %parallel_loop3A_858 = arith.index_cast %select_n3A_168 : i32 to index
        %parallel_loop3A_859 = arith.index_cast %parallel_loop3A_205 : i32 to index
        %parallel_loop3A_860 = arith.constant 736 : index
        %parallel_loop3A_861 = tpu.vector_load %arg6[%parallel_loop3A_858, %parallel_loop3A_859, %parallel_loop3A_860] {strides = array<i32>} : memref<6x16x1024xf32, #tpu.memory_space<vmem>>, vector<1x1x16xf32>,
        %parallel_loop3A_862 = vector.shape_cast %parallel_loop3A_861 : vector<1x1x16xf32> to vector<16xf32>
        %parallel_loop3A_863 = vector.shape_cast %parallel_loop3A_857 : vector<16xf32> to vector<1x1x16xf32>
        tpu.vector_store %arg6[%parallel_loop3A_858, %parallel_loop3A_859, %parallel_loop3A_860], %parallel_loop3A_863 {strides = array<i32>} : memref<6x16x1024xf32, #tpu.memory_space<vmem>>, vector<1x1x16xf32>,
        %parallel_loop3A_864 = arith.index_cast %select_n3A_168 : i32 to index
        %parallel_loop3A_865 = arith.index_cast %parallel_loop3A_205 : i32 to index
        %parallel_loop3A_866 = arith.constant 752 : index
        %parallel_loop3A_867 = tpu.vector_load %arg6[%parallel_loop3A_864, %parallel_loop3A_865, %parallel_loop3A_866] {strides = array<i32>} : memref<6x16x1024xf32, #tpu.memory_space<vmem>>, vector<1x1x16xf32>,
        %parallel_loop3A_868 = vector.shape_cast %parallel_loop3A_867 : vector<1x1x16xf32> to vector<16xf32>
        %parallel_loop3A_869 = arith.constant 3.200000e+01 : f32
        %parallel_loop3A_870 = vector.broadcast %parallel_loop3A_869 : f32 to vector<16xf32>
        %parallel_loop3A_871 = arith.mulf %parallel_loop3A_868, %parallel_loop3A_870 : vector<16xf32>
        %parallel_loop3A_872 = arith.index_cast %select_n3A_168 : i32 to index
        %parallel_loop3A_873 = arith.index_cast %parallel_loop3A_205 : i32 to index
        %parallel_loop3A_874 = arith.constant 752 : index
        %parallel_loop3A_875 = tpu.vector_load %arg6[%parallel_loop3A_872, %parallel_loop3A_873, %parallel_loop3A_874] {strides = array<i32>} : memref<6x16x1024xf32, #tpu.memory_space<vmem>>, vector<1x1x16xf32>,
        %parallel_loop3A_876 = vector.shape_cast %parallel_loop3A_875 : vector<1x1x16xf32> to vector<16xf32>
        %parallel_loop3A_877 = vector.shape_cast %parallel_loop3A_871 : vector<16xf32> to vector<1x1x16xf32>
        tpu.vector_store %arg6[%parallel_loop3A_872, %parallel_loop3A_873, %parallel_loop3A_874], %parallel_loop3A_877 {strides = array<i32>} : memref<6x16x1024xf32, #tpu.memory_space<vmem>>, vector<1x1x16xf32>,
        %parallel_loop3A_878 = arith.index_cast %select_n3A_168 : i32 to index
        %parallel_loop3A_879 = arith.index_cast %parallel_loop3A_205 : i32 to index
        %parallel_loop3A_880 = arith.constant 768 : index
        %parallel_loop3A_881 = tpu.vector_load %arg6[%parallel_loop3A_878, %parallel_loop3A_879, %parallel_loop3A_880] {strides = array<i32>} : memref<6x16x1024xf32, #tpu.memory_space<vmem>>, vector<1x1x16xf32>,
        %parallel_loop3A_882 = vector.shape_cast %parallel_loop3A_881 : vector<1x1x16xf32> to vector<16xf32>
        %parallel_loop3A_883 = arith.constant 3.200000e+01 : f32
        %parallel_loop3A_884 = vector.broadcast %parallel_loop3A_883 : f32 to vector<16xf32>
        %parallel_loop3A_885 = arith.mulf %parallel_loop3A_882, %parallel_loop3A_884 : vector<16xf32>
        %parallel_loop3A_886 = arith.index_cast %select_n3A_168 : i32 to index
        %parallel_loop3A_887 = arith.index_cast %parallel_loop3A_205 : i32 to index
        %parallel_loop3A_888 = arith.constant 768 : index
        %parallel_loop3A_889 = tpu.vector_load %arg6[%parallel_loop3A_886, %parallel_loop3A_887, %parallel_loop3A_888] {strides = array<i32>} : memref<6x16x1024xf32, #tpu.memory_space<vmem>>, vector<1x1x16xf32>,
        %parallel_loop3A_890 = vector.shape_cast %parallel_loop3A_889 : vector<1x1x16xf32> to vector<16xf32>
        %parallel_loop3A_891 = vector.shape_cast %parallel_loop3A_885 : vector<16xf32> to vector<1x1x16xf32>
        tpu.vector_store %arg6[%parallel_loop3A_886, %parallel_loop3A_887, %parallel_loop3A_888], %parallel_loop3A_891 {strides = array<i32>} : memref<6x16x1024xf32, #tpu.memory_space<vmem>>, vector<1x1x16xf32>,
        %parallel_loop3A_892 = arith.index_cast %select_n3A_168 : i32 to index
        %parallel_loop3A_893 = arith.index_cast %parallel_loop3A_205 : i32 to index
        %parallel_loop3A_894 = arith.constant 784 : index
        %parallel_loop3A_895 = tpu.vector_load %arg6[%parallel_loop3A_892, %parallel_loop3A_893, %parallel_loop3A_894] {strides = array<i32>} : memref<6x16x1024xf32, #tpu.memory_space<vmem>>, vector<1x1x16xf32>,
        %parallel_loop3A_896 = vector.shape_cast %parallel_loop3A_895 : vector<1x1x16xf32> to vector<16xf32>
        %parallel_loop3A_897 = arith.constant 3.200000e+01 : f32
        %parallel_loop3A_898 = vector.broadcast %parallel_loop3A_897 : f32 to vector<16xf32>
        %parallel_loop3A_899 = arith.mulf %parallel_loop3A_896, %parallel_loop3A_898 : vector<16xf32>
        %parallel_loop3A_900 = arith.index_cast %select_n3A_168 : i32 to index
        %parallel_loop3A_901 = arith.index_cast %parallel_loop3A_205 : i32 to index
        %parallel_loop3A_902 = arith.constant 784 : index
        %parallel_loop3A_903 = tpu.vector_load %arg6[%parallel_loop3A_900, %parallel_loop3A_901, %parallel_loop3A_902] {strides = array<i32>} : memref<6x16x1024xf32, #tpu.memory_space<vmem>>, vector<1x1x16xf32>,
        %parallel_loop3A_904 = vector.shape_cast %parallel_loop3A_903 : vector<1x1x16xf32> to vector<16xf32>
        %parallel_loop3A_905 = vector.shape_cast %parallel_loop3A_899 : vector<16xf32> to vector<1x1x16xf32>
        tpu.vector_store %arg6[%parallel_loop3A_900, %parallel_loop3A_901, %parallel_loop3A_902], %parallel_loop3A_905 {strides = array<i32>} : memref<6x16x1024xf32, #tpu.memory_space<vmem>>, vector<1x1x16xf32>,
        %parallel_loop3A_906 = arith.index_cast %select_n3A_168 : i32 to index
        %parallel_loop3A_907 = arith.index_cast %parallel_loop3A_205 : i32 to index
        %parallel_loop3A_908 = arith.constant 800 : index
        %parallel_loop3A_909 = tpu.vector_load %arg6[%parallel_loop3A_906, %parallel_loop3A_907, %parallel_loop3A_908] {strides = array<i32>} : memref<6x16x1024xf32, #tpu.memory_space<vmem>>, vector<1x1x16xf32>,
        %parallel_loop3A_910 = vector.shape_cast %parallel_loop3A_909 : vector<1x1x16xf32> to vector<16xf32>
        %parallel_loop3A_911 = arith.constant 3.200000e+01 : f32
        %parallel_loop3A_912 = vector.broadcast %parallel_loop3A_911 : f32 to vector<16xf32>
        %parallel_loop3A_913 = arith.mulf %parallel_loop3A_910, %parallel_loop3A_912 : vector<16xf32>
        %parallel_loop3A_914 = arith.index_cast %select_n3A_168 : i32 to index
        %parallel_loop3A_915 = arith.index_cast %parallel_loop3A_205 : i32 to index
        %parallel_loop3A_916 = arith.constant 800 : index
        %parallel_loop3A_917 = tpu.vector_load %arg6[%parallel_loop3A_914, %parallel_loop3A_915, %parallel_loop3A_916] {strides = array<i32>} : memref<6x16x1024xf32, #tpu.memory_space<vmem>>, vector<1x1x16xf32>,
        %parallel_loop3A_918 = vector.shape_cast %parallel_loop3A_917 : vector<1x1x16xf32> to vector<16xf32>
        %parallel_loop3A_919 = vector.shape_cast %parallel_loop3A_913 : vector<16xf32> to vector<1x1x16xf32>
        tpu.vector_store %arg6[%parallel_loop3A_914, %parallel_loop3A_915, %parallel_loop3A_916], %parallel_loop3A_919 {strides = array<i32>} : memref<6x16x1024xf32, #tpu.memory_space<vmem>>, vector<1x1x16xf32>,
        %parallel_loop3A_920 = arith.index_cast %select_n3A_168 : i32 to index
        %parallel_loop3A_921 = arith.index_cast %parallel_loop3A_205 : i32 to index
        %parallel_loop3A_922 = arith.constant 816 : index
        %parallel_loop3A_923 = tpu.vector_load %arg6[%parallel_loop3A_920, %parallel_loop3A_921, %parallel_loop3A_922] {strides = array<i32>} : memref<6x16x1024xf32, #tpu.memory_space<vmem>>, vector<1x1x16xf32>,
        %parallel_loop3A_924 = vector.shape_cast %parallel_loop3A_923 : vector<1x1x16xf32> to vector<16xf32>
        %parallel_loop3A_925 = arith.constant 3.200000e+01 : f32
        %parallel_loop3A_926 = vector.broadcast %parallel_loop3A_925 : f32 to vector<16xf32>
        %parallel_loop3A_927 = arith.mulf %parallel_loop3A_924, %parallel_loop3A_926 : vector<16xf32>
        %parallel_loop3A_928 = arith.index_cast %select_n3A_168 : i32 to index
        %parallel_loop3A_929 = arith.index_cast %parallel_loop3A_205 : i32 to index
        %parallel_loop3A_930 = arith.constant 816 : index
        %parallel_loop3A_931 = tpu.vector_load %arg6[%parallel_loop3A_928, %parallel_loop3A_929, %parallel_loop3A_930] {strides = array<i32>} : memref<6x16x1024xf32, #tpu.memory_space<vmem>>, vector<1x1x16xf32>,
        %parallel_loop3A_932 = vector.shape_cast %parallel_loop3A_931 : vector<1x1x16xf32> to vector<16xf32>
        %parallel_loop3A_933 = vector.shape_cast %parallel_loop3A_927 : vector<16xf32> to vector<1x1x16xf32>
        tpu.vector_store %arg6[%parallel_loop3A_928, %parallel_loop3A_929, %parallel_loop3A_930], %parallel_loop3A_933 {strides = array<i32>} : memref<6x16x1024xf32, #tpu.memory_space<vmem>>, vector<1x1x16xf32>,
        %parallel_loop3A_934 = arith.index_cast %select_n3A_168 : i32 to index
        %parallel_loop3A_935 = arith.index_cast %parallel_loop3A_205 : i32 to index
        %parallel_loop3A_936 = arith.constant 832 : index
        %parallel_loop3A_937 = tpu.vector_load %arg6[%parallel_loop3A_934, %parallel_loop3A_935, %parallel_loop3A_936] {strides = array<i32>} : memref<6x16x1024xf32, #tpu.memory_space<vmem>>, vector<1x1x16xf32>,
        %parallel_loop3A_938 = vector.shape_cast %parallel_loop3A_937 : vector<1x1x16xf32> to vector<16xf32>
        %parallel_loop3A_939 = arith.constant 3.200000e+01 : f32
        %parallel_loop3A_940 = vector.broadcast %parallel_loop3A_939 : f32 to vector<16xf32>
        %parallel_loop3A_941 = arith.mulf %parallel_loop3A_938, %parallel_loop3A_940 : vector<16xf32>
        %parallel_loop3A_942 = arith.index_cast %select_n3A_168 : i32 to index
        %parallel_loop3A_943 = arith.index_cast %parallel_loop3A_205 : i32 to index
        %parallel_loop3A_944 = arith.constant 832 : index
        %parallel_loop3A_945 = tpu.vector_load %arg6[%parallel_loop3A_942, %parallel_loop3A_943, %parallel_loop3A_944] {strides = array<i32>} : memref<6x16x1024xf32, #tpu.memory_space<vmem>>, vector<1x1x16xf32>,
        %parallel_loop3A_946 = vector.shape_cast %parallel_loop3A_945 : vector<1x1x16xf32> to vector<16xf32>
        %parallel_loop3A_947 = vector.shape_cast %parallel_loop3A_941 : vector<16xf32> to vector<1x1x16xf32>
        tpu.vector_store %arg6[%parallel_loop3A_942, %parallel_loop3A_943, %parallel_loop3A_944], %parallel_loop3A_947 {strides = array<i32>} : memref<6x16x1024xf32, #tpu.memory_space<vmem>>, vector<1x1x16xf32>,
        %parallel_loop3A_948 = arith.index_cast %select_n3A_168 : i32 to index
        %parallel_loop3A_949 = arith.index_cast %parallel_loop3A_205 : i32 to index
        %parallel_loop3A_950 = arith.constant 848 : index
        %parallel_loop3A_951 = tpu.vector_load %arg6[%parallel_loop3A_948, %parallel_loop3A_949, %parallel_loop3A_950] {strides = array<i32>} : memref<6x16x1024xf32, #tpu.memory_space<vmem>>, vector<1x1x16xf32>,
        %parallel_loop3A_952 = vector.shape_cast %parallel_loop3A_951 : vector<1x1x16xf32> to vector<16xf32>
        %parallel_loop3A_953 = arith.constant 3.200000e+01 : f32
        %parallel_loop3A_954 = vector.broadcast %parallel_loop3A_953 : f32 to vector<16xf32>
        %parallel_loop3A_955 = arith.mulf %parallel_loop3A_952, %parallel_loop3A_954 : vector<16xf32>
        %parallel_loop3A_956 = arith.index_cast %select_n3A_168 : i32 to index
        %parallel_loop3A_957 = arith.index_cast %parallel_loop3A_205 : i32 to index
        %parallel_loop3A_958 = arith.constant 848 : index
        %parallel_loop3A_959 = tpu.vector_load %arg6[%parallel_loop3A_956, %parallel_loop3A_957, %parallel_loop3A_958] {strides = array<i32>} : memref<6x16x1024xf32, #tpu.memory_space<vmem>>, vector<1x1x16xf32>,
        %parallel_loop3A_960 = vector.shape_cast %parallel_loop3A_959 : vector<1x1x16xf32> to vector<16xf32>
        %parallel_loop3A_961 = vector.shape_cast %parallel_loop3A_955 : vector<16xf32> to vector<1x1x16xf32>
        tpu.vector_store %arg6[%parallel_loop3A_956, %parallel_loop3A_957, %parallel_loop3A_958], %parallel_loop3A_961 {strides = array<i32>} : memref<6x16x1024xf32, #tpu.memory_space<vmem>>, vector<1x1x16xf32>,
        %parallel_loop3A_962 = arith.index_cast %select_n3A_168 : i32 to index
        %parallel_loop3A_963 = arith.index_cast %parallel_loop3A_205 : i32 to index
        %parallel_loop3A_964 = arith.constant 864 : index
        %parallel_loop3A_965 = tpu.vector_load %arg6[%parallel_loop3A_962, %parallel_loop3A_963, %parallel_loop3A_964] {strides = array<i32>} : memref<6x16x1024xf32, #tpu.memory_space<vmem>>, vector<1x1x16xf32>,
        %parallel_loop3A_966 = vector.shape_cast %parallel_loop3A_965 : vector<1x1x16xf32> to vector<16xf32>
        %parallel_loop3A_967 = arith.constant 3.200000e+01 : f32
        %parallel_loop3A_968 = vector.broadcast %parallel_loop3A_967 : f32 to vector<16xf32>
        %parallel_loop3A_969 = arith.mulf %parallel_loop3A_966, %parallel_loop3A_968 : vector<16xf32>
        %parallel_loop3A_970 = arith.index_cast %select_n3A_168 : i32 to index
        %parallel_loop3A_971 = arith.index_cast %parallel_loop3A_205 : i32 to index
        %parallel_loop3A_972 = arith.constant 864 : index
        %parallel_loop3A_973 = tpu.vector_load %arg6[%parallel_loop3A_970, %parallel_loop3A_971, %parallel_loop3A_972] {strides = array<i32>} : memref<6x16x1024xf32, #tpu.memory_space<vmem>>, vector<1x1x16xf32>,
        %parallel_loop3A_974 = vector.shape_cast %parallel_loop3A_973 : vector<1x1x16xf32> to vector<16xf32>
        %parallel_loop3A_975 = vector.shape_cast %parallel_loop3A_969 : vector<16xf32> to vector<1x1x16xf32>
        tpu.vector_store %arg6[%parallel_loop3A_970, %parallel_loop3A_971, %parallel_loop3A_972], %parallel_loop3A_975 {strides = array<i32>} : memref<6x16x1024xf32, #tpu.memory_space<vmem>>, vector<1x1x16xf32>,
        %parallel_loop3A_976 = arith.index_cast %select_n3A_168 : i32 to index
        %parallel_loop3A_977 = arith.index_cast %parallel_loop3A_205 : i32 to index
        %parallel_loop3A_978 = arith.constant 880 : index
        %parallel_loop3A_979 = tpu.vector_load %arg6[%parallel_loop3A_976, %parallel_loop3A_977, %parallel_loop3A_978] {strides = array<i32>} : memref<6x16x1024xf32, #tpu.memory_space<vmem>>, vector<1x1x16xf32>,
        %parallel_loop3A_980 = vector.shape_cast %parallel_loop3A_979 : vector<1x1x16xf32> to vector<16xf32>
        %parallel_loop3A_981 = arith.constant 3.200000e+01 : f32
        %parallel_loop3A_982 = vector.broadcast %parallel_loop3A_981 : f32 to vector<16xf32>
        %parallel_loop3A_983 = arith.mulf %parallel_loop3A_980, %parallel_loop3A_982 : vector<16xf32>
        %parallel_loop3A_984 = arith.index_cast %select_n3A_168 : i32 to index
        %parallel_loop3A_985 = arith.index_cast %parallel_loop3A_205 : i32 to index
        %parallel_loop3A_986 = arith.constant 880 : index
        %parallel_loop3A_987 = tpu.vector_load %arg6[%parallel_loop3A_984, %parallel_loop3A_985, %parallel_loop3A_986] {strides = array<i32>} : memref<6x16x1024xf32, #tpu.memory_space<vmem>>, vector<1x1x16xf32>,
        %parallel_loop3A_988 = vector.shape_cast %parallel_loop3A_987 : vector<1x1x16xf32> to vector<16xf32>
        %parallel_loop3A_989 = vector.shape_cast %parallel_loop3A_983 : vector<16xf32> to vector<1x1x16xf32>
        tpu.vector_store %arg6[%parallel_loop3A_984, %parallel_loop3A_985, %parallel_loop3A_986], %parallel_loop3A_989 {strides = array<i32>} : memref<6x16x1024xf32, #tpu.memory_space<vmem>>, vector<1x1x16xf32>,
        %parallel_loop3A_990 = arith.index_cast %select_n3A_168 : i32 to index
        %parallel_loop3A_991 = arith.index_cast %parallel_loop3A_205 : i32 to index
        %parallel_loop3A_992 = arith.constant 896 : index
        %parallel_loop3A_993 = tpu.vector_load %arg6[%parallel_loop3A_990, %parallel_loop3A_991, %parallel_loop3A_992] {strides = array<i32>} : memref<6x16x1024xf32, #tpu.memory_space<vmem>>, vector<1x1x16xf32>,
        %parallel_loop3A_994 = vector.shape_cast %parallel_loop3A_993 : vector<1x1x16xf32> to vector<16xf32>
        %parallel_loop3A_995 = arith.constant 3.200000e+01 : f32
        %parallel_loop3A_996 = vector.broadcast %parallel_loop3A_995 : f32 to vector<16xf32>
        %parallel_loop3A_997 = arith.mulf %parallel_loop3A_994, %parallel_loop3A_996 : vector<16xf32>
        %parallel_loop3A_998 = arith.index_cast %select_n3A_168 : i32 to index
        %parallel_loop3A_999 = arith.index_cast %parallel_loop3A_205 : i32 to index
        %parallel_loop3A_1000 = arith.constant 896 : index
        %parallel_loop3A_1001 = tpu.vector_load %arg6[%parallel_loop3A_998, %parallel_loop3A_999, %parallel_loop3A_1000] {strides = array<i32>} : memref<6x16x1024xf32, #tpu.memory_space<vmem>>, vector<1x1x16xf32>,
        %parallel_loop3A_1002 = vector.shape_cast %parallel_loop3A_1001 : vector<1x1x16xf32> to vector<16xf32>
        %parallel_loop3A_1003 = vector.shape_cast %parallel_loop3A_997 : vector<16xf32> to vector<1x1x16xf32>
        tpu.vector_store %arg6[%parallel_loop3A_998, %parallel_loop3A_999, %parallel_loop3A_1000], %parallel_loop3A_1003 {strides = array<i32>} : memref<6x16x1024xf32, #tpu.memory_space<vmem>>, vector<1x1x16xf32>,
        %parallel_loop3A_1004 = arith.index_cast %select_n3A_168 : i32 to index
        %parallel_loop3A_1005 = arith.index_cast %parallel_loop3A_205 : i32 to index
        %parallel_loop3A_1006 = arith.constant 912 : index
        %parallel_loop3A_1007 = tpu.vector_load %arg6[%parallel_loop3A_1004, %parallel_loop3A_1005, %parallel_loop3A_1006] {strides = array<i32>} : memref<6x16x1024xf32, #tpu.memory_space<vmem>>, vector<1x1x16xf32>,
        %parallel_loop3A_1008 = vector.shape_cast %parallel_loop3A_1007 : vector<1x1x16xf32> to vector<16xf32>
        %parallel_loop3A_1009 = arith.constant 3.200000e+01 : f32
        %parallel_loop3A_1010 = vector.broadcast %parallel_loop3A_1009 : f32 to vector<16xf32>
        %parallel_loop3A_1011 = arith.mulf %parallel_loop3A_1008, %parallel_loop3A_1010 : vector<16xf32>
        %parallel_loop3A_1012 = arith.index_cast %select_n3A_168 : i32 to index
        %parallel_loop3A_1013 = arith.index_cast %parallel_loop3A_205 : i32 to index
        %parallel_loop3A_1014 = arith.constant 912 : index
        %parallel_loop3A_1015 = tpu.vector_load %arg6[%parallel_loop3A_1012, %parallel_loop3A_1013, %parallel_loop3A_1014] {strides = array<i32>} : memref<6x16x1024xf32, #tpu.memory_space<vmem>>, vector<1x1x16xf32>,
        %parallel_loop3A_1016 = vector.shape_cast %parallel_loop3A_1015 : vector<1x1x16xf32> to vector<16xf32>
        %parallel_loop3A_1017 = vector.shape_cast %parallel_loop3A_1011 : vector<16xf32> to vector<1x1x16xf32>
        tpu.vector_store %arg6[%parallel_loop3A_1012, %parallel_loop3A_1013, %parallel_loop3A_1014], %parallel_loop3A_1017 {strides = array<i32>} : memref<6x16x1024xf32, #tpu.memory_space<vmem>>, vector<1x1x16xf32>,
        %parallel_loop3A_1018 = arith.index_cast %select_n3A_168 : i32 to index
        %parallel_loop3A_1019 = arith.index_cast %parallel_loop3A_205 : i32 to index
        %parallel_loop3A_1020 = arith.constant 928 : index
        %parallel_loop3A_1021 = tpu.vector_load %arg6[%parallel_loop3A_1018, %parallel_loop3A_1019, %parallel_loop3A_1020] {strides = array<i32>} : memref<6x16x1024xf32, #tpu.memory_space<vmem>>, vector<1x1x16xf32>,
        %parallel_loop3A_1022 = vector.shape_cast %parallel_loop3A_1021 : vector<1x1x16xf32> to vector<16xf32>
        %parallel_loop3A_1023 = arith.constant 3.200000e+01 : f32
        %parallel_loop3A_1024 = vector.broadcast %parallel_loop3A_1023 : f32 to vector<16xf32>
        %parallel_loop3A_1025 = arith.mulf %parallel_loop3A_1022, %parallel_loop3A_1024 : vector<16xf32>
        %parallel_loop3A_1026 = arith.index_cast %select_n3A_168 : i32 to index
        %parallel_loop3A_1027 = arith.index_cast %parallel_loop3A_205 : i32 to index
        %parallel_loop3A_1028 = arith.constant 928 : index
        %parallel_loop3A_1029 = tpu.vector_load %arg6[%parallel_loop3A_1026, %parallel_loop3A_1027, %parallel_loop3A_1028] {strides = array<i32>} : memref<6x16x1024xf32, #tpu.memory_space<vmem>>, vector<1x1x16xf32>,
        %parallel_loop3A_1030 = vector.shape_cast %parallel_loop3A_1029 : vector<1x1x16xf32> to vector<16xf32>
        %parallel_loop3A_1031 = vector.shape_cast %parallel_loop3A_1025 : vector<16xf32> to vector<1x1x16xf32>
        tpu.vector_store %arg6[%parallel_loop3A_1026, %parallel_loop3A_1027, %parallel_loop3A_1028], %parallel_loop3A_1031 {strides = array<i32>} : memref<6x16x1024xf32, #tpu.memory_space<vmem>>, vector<1x1x16xf32>,
        %parallel_loop3A_1032 = arith.index_cast %select_n3A_168 : i32 to index
        %parallel_loop3A_1033 = arith.index_cast %parallel_loop3A_205 : i32 to index
        %parallel_loop3A_1034 = arith.constant 944 : index
        %parallel_loop3A_1035 = tpu.vector_load %arg6[%parallel_loop3A_1032, %parallel_loop3A_1033, %parallel_loop3A_1034] {strides = array<i32>} : memref<6x16x1024xf32, #tpu.memory_space<vmem>>, vector<1x1x16xf32>,
        %parallel_loop3A_1036 = vector.shape_cast %parallel_loop3A_1035 : vector<1x1x16xf32> to vector<16xf32>
        %parallel_loop3A_1037 = arith.constant 3.200000e+01 : f32
        %parallel_loop3A_1038 = vector.broadcast %parallel_loop3A_1037 : f32 to vector<16xf32>
        %parallel_loop3A_1039 = arith.mulf %parallel_loop3A_1036, %parallel_loop3A_1038 : vector<16xf32>
        %parallel_loop3A_1040 = arith.index_cast %select_n3A_168 : i32 to index
        %parallel_loop3A_1041 = arith.index_cast %parallel_loop3A_205 : i32 to index
        %parallel_loop3A_1042 = arith.constant 944 : index
        %parallel_loop3A_1043 = tpu.vector_load %arg6[%parallel_loop3A_1040, %parallel_loop3A_1041, %parallel_loop3A_1042] {strides = array<i32>} : memref<6x16x1024xf32, #tpu.memory_space<vmem>>, vector<1x1x16xf32>,
        %parallel_loop3A_1044 = vector.shape_cast %parallel_loop3A_1043 : vector<1x1x16xf32> to vector<16xf32>
        %parallel_loop3A_1045 = vector.shape_cast %parallel_loop3A_1039 : vector<16xf32> to vector<1x1x16xf32>
        tpu.vector_store %arg6[%parallel_loop3A_1040, %parallel_loop3A_1041, %parallel_loop3A_1042], %parallel_loop3A_1045 {strides = array<i32>} : memref<6x16x1024xf32, #tpu.memory_space<vmem>>, vector<1x1x16xf32>,
        %parallel_loop3A_1046 = arith.index_cast %select_n3A_168 : i32 to index
        %parallel_loop3A_1047 = arith.index_cast %parallel_loop3A_205 : i32 to index
        %parallel_loop3A_1048 = arith.constant 960 : index
        %parallel_loop3A_1049 = tpu.vector_load %arg6[%parallel_loop3A_1046, %parallel_loop3A_1047, %parallel_loop3A_1048] {strides = array<i32>} : memref<6x16x1024xf32, #tpu.memory_space<vmem>>, vector<1x1x16xf32>,
        %parallel_loop3A_1050 = vector.shape_cast %parallel_loop3A_1049 : vector<1x1x16xf32> to vector<16xf32>
        %parallel_loop3A_1051 = arith.constant 3.200000e+01 : f32
        %parallel_loop3A_1052 = vector.broadcast %parallel_loop3A_1051 : f32 to vector<16xf32>
        %parallel_loop3A_1053 = arith.mulf %parallel_loop3A_1050, %parallel_loop3A_1052 : vector<16xf32>
        %parallel_loop3A_1054 = arith.index_cast %select_n3A_168 : i32 to index
        %parallel_loop3A_1055 = arith.index_cast %parallel_loop3A_205 : i32 to index
        %parallel_loop3A_1056 = arith.constant 960 : index
        %parallel_loop3A_1057 = tpu.vector_load %arg6[%parallel_loop3A_1054, %parallel_loop3A_1055, %parallel_loop3A_1056] {strides = array<i32>} : memref<6x16x1024xf32, #tpu.memory_space<vmem>>, vector<1x1x16xf32>,
        %parallel_loop3A_1058 = vector.shape_cast %parallel_loop3A_1057 : vector<1x1x16xf32> to vector<16xf32>
        %parallel_loop3A_1059 = vector.shape_cast %parallel_loop3A_1053 : vector<16xf32> to vector<1x1x16xf32>
        tpu.vector_store %arg6[%parallel_loop3A_1054, %parallel_loop3A_1055, %parallel_loop3A_1056], %parallel_loop3A_1059 {strides = array<i32>} : memref<6x16x1024xf32, #tpu.memory_space<vmem>>, vector<1x1x16xf32>,
        %parallel_loop3A_1060 = arith.index_cast %select_n3A_168 : i32 to index
        %parallel_loop3A_1061 = arith.index_cast %parallel_loop3A_205 : i32 to index
        %parallel_loop3A_1062 = arith.constant 976 : index
        %parallel_loop3A_1063 = tpu.vector_load %arg6[%parallel_loop3A_1060, %parallel_loop3A_1061, %parallel_loop3A_1062] {strides = array<i32>} : memref<6x16x1024xf32, #tpu.memory_space<vmem>>, vector<1x1x16xf32>,
        %parallel_loop3A_1064 = vector.shape_cast %parallel_loop3A_1063 : vector<1x1x16xf32> to vector<16xf32>
        %parallel_loop3A_1065 = arith.constant 3.200000e+01 : f32
        %parallel_loop3A_1066 = vector.broadcast %parallel_loop3A_1065 : f32 to vector<16xf32>
        %parallel_loop3A_1067 = arith.mulf %parallel_loop3A_1064, %parallel_loop3A_1066 : vector<16xf32>
        %parallel_loop3A_1068 = arith.index_cast %select_n3A_168 : i32 to index
        %parallel_loop3A_1069 = arith.index_cast %parallel_loop3A_205 : i32 to index
        %parallel_loop3A_1070 = arith.constant 976 : index
        %parallel_loop3A_1071 = tpu.vector_load %arg6[%parallel_loop3A_1068, %parallel_loop3A_1069, %parallel_loop3A_1070] {strides = array<i32>} : memref<6x16x1024xf32, #tpu.memory_space<vmem>>, vector<1x1x16xf32>,
        %parallel_loop3A_1072 = vector.shape_cast %parallel_loop3A_1071 : vector<1x1x16xf32> to vector<16xf32>
        %parallel_loop3A_1073 = vector.shape_cast %parallel_loop3A_1067 : vector<16xf32> to vector<1x1x16xf32>
        tpu.vector_store %arg6[%parallel_loop3A_1068, %parallel_loop3A_1069, %parallel_loop3A_1070], %parallel_loop3A_1073 {strides = array<i32>} : memref<6x16x1024xf32, #tpu.memory_space<vmem>>, vector<1x1x16xf32>,
        %parallel_loop3A_1074 = arith.index_cast %select_n3A_168 : i32 to index
        %parallel_loop3A_1075 = arith.index_cast %parallel_loop3A_205 : i32 to index
        %parallel_loop3A_1076 = arith.constant 992 : index
        %parallel_loop3A_1077 = tpu.vector_load %arg6[%parallel_loop3A_1074, %parallel_loop3A_1075, %parallel_loop3A_1076] {strides = array<i32>} : memref<6x16x1024xf32, #tpu.memory_space<vmem>>, vector<1x1x16xf32>,
        %parallel_loop3A_1078 = vector.shape_cast %parallel_loop3A_1077 : vector<1x1x16xf32> to vector<16xf32>
        %parallel_loop3A_1079 = arith.constant 3.200000e+01 : f32
        %parallel_loop3A_1080 = vector.broadcast %parallel_loop3A_1079 : f32 to vector<16xf32>
        %parallel_loop3A_1081 = arith.mulf %parallel_loop3A_1078, %parallel_loop3A_1080 : vector<16xf32>
        %parallel_loop3A_1082 = arith.index_cast %select_n3A_168 : i32 to index
        %parallel_loop3A_1083 = arith.index_cast %parallel_loop3A_205 : i32 to index
        %parallel_loop3A_1084 = arith.constant 992 : index
        %parallel_loop3A_1085 = tpu.vector_load %arg6[%parallel_loop3A_1082, %parallel_loop3A_1083, %parallel_loop3A_1084] {strides = array<i32>} : memref<6x16x1024xf32, #tpu.memory_space<vmem>>, vector<1x1x16xf32>,
        %parallel_loop3A_1086 = vector.shape_cast %parallel_loop3A_1085 : vector<1x1x16xf32> to vector<16xf32>
        %parallel_loop3A_1087 = vector.shape_cast %parallel_loop3A_1081 : vector<16xf32> to vector<1x1x16xf32>
        tpu.vector_store %arg6[%parallel_loop3A_1082, %parallel_loop3A_1083, %parallel_loop3A_1084], %parallel_loop3A_1087 {strides = array<i32>} : memref<6x16x1024xf32, #tpu.memory_space<vmem>>, vector<1x1x16xf32>,
        %parallel_loop3A_1088 = arith.index_cast %select_n3A_168 : i32 to index
        %parallel_loop3A_1089 = arith.index_cast %parallel_loop3A_205 : i32 to index
        %parallel_loop3A_1090 = arith.constant 1008 : index
        %parallel_loop3A_1091 = tpu.vector_load %arg6[%parallel_loop3A_1088, %parallel_loop3A_1089, %parallel_loop3A_1090] {strides = array<i32>} : memref<6x16x1024xf32, #tpu.memory_space<vmem>>, vector<1x1x16xf32>,
        %parallel_loop3A_1092 = vector.shape_cast %parallel_loop3A_1091 : vector<1x1x16xf32> to vector<16xf32>
        %parallel_loop3A_1093 = arith.constant 3.200000e+01 : f32
        %parallel_loop3A_1094 = vector.broadcast %parallel_loop3A_1093 : f32 to vector<16xf32>
        %parallel_loop3A_1095 = arith.mulf %parallel_loop3A_1092, %parallel_loop3A_1094 : vector<16xf32>
        %parallel_loop3A_1096 = arith.index_cast %select_n3A_168 : i32 to index
        %parallel_loop3A_1097 = arith.index_cast %parallel_loop3A_205 : i32 to index
        %parallel_loop3A_1098 = arith.constant 1008 : index
        %parallel_loop3A_1099 = tpu.vector_load %arg6[%parallel_loop3A_1096, %parallel_loop3A_1097, %parallel_loop3A_1098] {strides = array<i32>} : memref<6x16x1024xf32, #tpu.memory_space<vmem>>, vector<1x1x16xf32>,
        %parallel_loop3A_1100 = vector.shape_cast %parallel_loop3A_1099 : vector<1x1x16xf32> to vector<16xf32>
        %parallel_loop3A_1101 = vector.shape_cast %parallel_loop3A_1095 : vector<16xf32> to vector<1x1x16xf32>
        tpu.vector_store %arg6[%parallel_loop3A_1096, %parallel_loop3A_1097, %parallel_loop3A_1098], %parallel_loop3A_1101 {strides = array<i32>} : memref<6x16x1024xf32, #tpu.memory_space<vmem>>, vector<1x1x16xf32>,
      } {sc.loop_unroll_factor = 2 : i64, sc.parallel_access}
      %mul3A_183 = arith.constant 16 : i32
      %mul3A_184 = arith.muli %scan3A_159, %mul3A_183 : i32
      %add3A_185 = arith.addi %mul3A_2, %mul3A_184 : i32
      %dma_start3A_186 = arith.constant 0 : i32
      %dma_start3A_187 = arith.constant 0 : i32
      %dma_start3A_188 = tpu.memref_slice %arg6[%select_n3A_168, %dma_start3A_186, %dma_start3A_187] : memref<6x16x1024xf32, #tpu.memory_space<vmem>> -> memref<1x16x1024xf32, #tpu.memory_space<vmem>>
      %dma_start3A_189 = tpu.memref_squeeze %dma_start3A_188 : memref<1x16x1024xf32, #tpu.memory_space<vmem>> -> memref<16x1024xf32, #tpu.memory_space<vmem>>
      %dma_start3A_190 = arith.constant 0 : i32
      %dma_start3A_191 = tpu.memref_slice %arg4[%add3A_185, %dma_start3A_190] : memref<16384x1024xf32, #tpu.memory_space<hbm>> -> memref<16x1024xf32, #tpu.memory_space<hbm>>
      %dma_start3A_192 = tpu.memref_slice %arg8[%select_n3A_168] : memref<6x!tpu.dma_semaphore, #tpu.memory_space<semaphore_mem>> -> memref<1x!tpu.dma_semaphore, #tpu.memory_space<semaphore_mem>>
      %dma_start3A_193 = tpu.memref_squeeze %dma_start3A_192 : memref<1x!tpu.dma_semaphore, #tpu.memory_space<semaphore_mem>> -> memref<!tpu.dma_semaphore, #tpu.memory_space<semaphore_mem>>
      %dma_start3A_194 = arith.constant 0 : i32
      %dma_start3A_195 = tpu.memref_slice %arg4[%add3A_185, %dma_start3A_194] : memref<16384x1024xf32, #tpu.memory_space<hbm>> -> memref<16x1024xf32, #tpu.memory_space<hbm>>
      %dma_start3A_196 = arith.constant 0 : i32
      %dma_start3A_197 = arith.constant 0 : i32
      %dma_start3A_198 = tpu.memref_slice %arg6[%select_n3A_168, %dma_start3A_196, %dma_start3A_197] : memref<6x16x1024xf32, #tpu.memory_space<vmem>> -> memref<1x16x1024xf32, #tpu.memory_space<vmem>>
      %dma_start3A_199 = tpu.memref_squeeze %dma_start3A_198 : memref<1x16x1024xf32, #tpu.memory_space<vmem>> -> memref<16x1024xf32, #tpu.memory_space<vmem>>
      tpu.enqueue_dma source(%dma_start3A_199 : memref<16x1024xf32, #tpu.memory_space<vmem>>) target(%dma_start3A_195 : memref<16x1024xf32, #tpu.memory_space<hbm>>) target_semaphore(%dma_start3A_193 : memref<!tpu.dma_semaphore, #tpu.memory_space<semaphore_mem>>)
      %add3A_200 = arith.constant 3 : i32
      %add3A_201 = arith.addi %scan3A_159, %add3A_200 : i32
      %lt3A_202 = arith.constant 32 : i32
      %lt3A_203 = arith.cmpi slt, %add3A_201, %lt3A_202 : i32
      %convert_element_type3A = arith.extui %lt3A_203 : i1 to i32
      %cond3A = arith.constant 0 : i32
      %cond3A_204 = arith.cmpi ne, %convert_element_type3A, %cond3A : i32
      scf.if %cond3A_204 {
        %add3A_205 = arith.constant 3 : i32
        %add3A_206 = arith.addi %scan3A_159, %add3A_205 : i32
        %ge3A = arith.constant 6 : i32
        %ge3A_207 = arith.cmpi sge, %add3A_206, %ge3A : i32
        %convert_element_type3A_208 = arith.extui %ge3A_207 : i1 to i32
        %cond3A_209 = arith.constant 0 : i32
        %cond3A_210 = arith.cmpi ne, %convert_element_type3A_208, %cond3A_209 : i32
        scf.if %cond3A_210 {
          %add3A_243 = arith.constant 3 : i32
          %add3A_244 = arith.addi %scan3A_159, %add3A_243 : i32
          %sub3A = arith.constant 6 : i32
          %sub3A_245 = arith.subi %add3A_244, %sub3A : i32
          %add3A_246 = arith.constant 3 : i32
          %add3A_247 = arith.addi %scan3A_159, %add3A_246 : i32
          %jit3A_248 = arith.constant 6 : i32
          %eq3A_249 = arith.constant 0 : i32
          %eq3A_250 = arith.cmpi eq, %jit3A_248, %eq3A_249 : i32
          %jit3A_251 = arith.constant 1 : i32
          %select_n3A_252 = arith.select %eq3A_250, %jit3A_251, %jit3A_248 : i32
          %rem3A_253 = arith.remsi %add3A_247, %select_n3A_252 : i32
          %ne3A_254 = arith.constant 0 : i32
          %ne3A_255 = arith.cmpi ne, %rem3A_253, %ne3A_254 : i32
          %lt3A_256 = arith.constant 0 : i32
          %lt3A_257 = arith.cmpi slt, %rem3A_253, %lt3A_256 : i32
          %lt3A_258 = arith.constant 0 : i32
          %lt3A_259 = arith.cmpi slt, %select_n3A_252, %lt3A_258 : i32
          %ne3A_260 = arith.xori %lt3A_257, %lt3A_259 : i1
          %and3A_261 = arith.andi %ne3A_260, %ne3A_255 : i1
          %add3A_262 = arith.addi %rem3A_253, %select_n3A_252 : i32
          %select_n3A_263 = arith.select %and3A_261, %add3A_262, %rem3A_253 : i32
          %mul3A_264 = arith.constant 16 : i32
          %mul3A_265 = arith.muli %sub3A_245, %mul3A_264 : i32
          %add3A_266 = arith.addi %mul3A_2, %mul3A_265 : i32
          %dma_wait3A_267 = arith.constant 0 : i32
          %dma_wait3A_268 = arith.constant 0 : i32
          %dma_wait3A_269 = tpu.memref_slice %arg6[%select_n3A_263, %dma_wait3A_267, %dma_wait3A_268] : memref<6x16x1024xf32, #tpu.memory_space<vmem>> -> memref<1x16x1024xf32, #tpu.memory_space<vmem>>
          %dma_wait3A_270 = tpu.memref_squeeze %dma_wait3A_269 : memref<1x16x1024xf32, #tpu.memory_space<vmem>> -> memref<16x1024xf32, #tpu.memory_space<vmem>>
          %dma_wait3A_271 = arith.constant 0 : i32
          %dma_wait3A_272 = tpu.memref_slice %arg4[%add3A_266, %dma_wait3A_271] : memref<16384x1024xf32, #tpu.memory_space<hbm>> -> memref<16x1024xf32, #tpu.memory_space<hbm>>
          %dma_wait3A_273 = tpu.memref_slice %arg8[%select_n3A_263] : memref<6x!tpu.dma_semaphore, #tpu.memory_space<semaphore_mem>> -> memref<1x!tpu.dma_semaphore, #tpu.memory_space<semaphore_mem>>
          %dma_wait3A_274 = tpu.memref_squeeze %dma_wait3A_273 : memref<1x!tpu.dma_semaphore, #tpu.memory_space<semaphore_mem>> -> memref<!tpu.dma_semaphore, #tpu.memory_space<semaphore_mem>>
          %dma_wait3A_275 = arith.constant 0 : i32
          %dma_wait3A_276 = tpu.memref_slice %arg4[%add3A_266, %dma_wait3A_275] : memref<16384x1024xf32, #tpu.memory_space<hbm>> -> memref<16x1024xf32, #tpu.memory_space<hbm>>
          %dma_wait3A_277 = arith.constant 0 : i32
          %dma_wait3A_278 = arith.constant 0 : i32
          %dma_wait3A_279 = tpu.memref_slice %arg6[%select_n3A_263, %dma_wait3A_277, %dma_wait3A_278] : memref<6x16x1024xf32, #tpu.memory_space<vmem>> -> memref<1x16x1024xf32, #tpu.memory_space<vmem>>
          %dma_wait3A_280 = tpu.memref_squeeze %dma_wait3A_279 : memref<1x16x1024xf32, #tpu.memory_space<vmem>> -> memref<16x1024xf32, #tpu.memory_space<vmem>>
          tpu.wait_dma2 semaphore(%dma_wait3A_274 : memref<!tpu.dma_semaphore, #tpu.memory_space<semaphore_mem>>) src(%dma_wait3A_280 : memref<16x1024xf32, #tpu.memory_space<vmem>>) dst(%dma_wait3A_276 : memref<16x1024xf32, #tpu.memory_space<hbm>>)
        } else {
        }
        %add3A_211 = arith.constant 3 : i32
        %add3A_212 = arith.addi %scan3A_159, %add3A_211 : i32
        %add3A_213 = arith.constant 3 : i32
        %add3A_214 = arith.addi %scan3A_159, %add3A_213 : i32
        %jit3A_215 = arith.constant 6 : i32
        %eq3A_216 = arith.constant 0 : i32
        %eq3A_217 = arith.cmpi eq, %jit3A_215, %eq3A_216 : i32
        %jit3A_218 = arith.constant 1 : i32
        %select_n3A_219 = arith.select %eq3A_217, %jit3A_218, %jit3A_215 : i32
        %rem3A_220 = arith.remsi %add3A_214, %select_n3A_219 : i32
        %ne3A_221 = arith.constant 0 : i32
        %ne3A_222 = arith.cmpi ne, %rem3A_220, %ne3A_221 : i32
        %lt3A_223 = arith.constant 0 : i32
        %lt3A_224 = arith.cmpi slt, %rem3A_220, %lt3A_223 : i32
        %lt3A_225 = arith.constant 0 : i32
        %lt3A_226 = arith.cmpi slt, %select_n3A_219, %lt3A_225 : i32
        %ne3A_227 = arith.xori %lt3A_224, %lt3A_226 : i1
        %and3A_228 = arith.andi %ne3A_227, %ne3A_222 : i1
        %add3A_229 = arith.addi %rem3A_220, %select_n3A_219 : i32
        %select_n3A_230 = arith.select %and3A_228, %add3A_229, %rem3A_220 : i32
        %dma_start3A_231 = arith.constant 0 : i32
        %dma_start3A_232 = arith.constant 0 : i32
        %dma_start3A_233 = tpu.memref_slice %arg6[%select_n3A_230, %dma_start3A_231, %dma_start3A_232] : memref<6x16x1024xf32, #tpu.memory_space<vmem>> -> memref<1x16x1024xf32, #tpu.memory_space<vmem>>
        %dma_start3A_234 = tpu.memref_squeeze %dma_start3A_233 : memref<1x16x1024xf32, #tpu.memory_space<vmem>> -> memref<16x1024xf32, #tpu.memory_space<vmem>>
        %dma_start3A_235 = arith.constant 0 : i32
        %dma_start3A_236 = tpu.memref_slice %arg5[%add3A_212, %dma_start3A_235] : memref<32x16xi32, #tpu.memory_space<vmem>> -> memref<1x16xi32, #tpu.memory_space<vmem>>
        %dma_start3A_237 = tpu.memref_squeeze %dma_start3A_236 : memref<1x16xi32, #tpu.memory_space<vmem>> -> memref<16xi32, #tpu.memory_space<vmem>>
        %dma_start3A_238 = arith.constant 0 : i32
        %dma_start3A_239 = arith.constant 0 : i32
        %dma_start3A_240 = tpu.memref_slice %arg3[%dma_start3A_238, %dma_start3A_239] : memref<100000x1024xf32, #tpu.memory_space<hbm>> -> memref<100000x1024xf32, #tpu.memory_space<hbm>>
        %dma_start3A_241 = tpu.memref_slice %arg7[%select_n3A_230] : memref<6x!tpu.dma_semaphore, #tpu.memory_space<semaphore_mem>> -> memref<1x!tpu.dma_semaphore, #tpu.memory_space<semaphore_mem>>
        %dma_start3A_242 = tpu.memref_squeeze %dma_start3A_241 : memref<1x!tpu.dma_semaphore, #tpu.memory_space<semaphore_mem>> -> memref<!tpu.dma_semaphore, #tpu.memory_space<semaphore_mem>>
        tpu.enqueue_indirect_dma source(%dma_start3A_240 : memref<100000x1024xf32, #tpu.memory_space<hbm>>) target(%dma_start3A_234 : memref<16x1024xf32, #tpu.memory_space<vmem>>) offsets(%dma_start3A_237 : memref<16xi32, #tpu.memory_space<vmem>>) semaphore(%dma_start3A_242 : memref<!tpu.dma_semaphore, #tpu.memory_space<semaphore_mem>>)
      } else {
      }
    }
    %scan3A_51 = arith.constant 32 : i32
    %add3A_52 = arith.constant 416 : i32
    %add3A_53 = arith.addi %mul3A_2, %add3A_52 : i32
    %dma_wait3A = arith.constant 2 : i32
    %dma_wait3A_54 = arith.constant 2 : i32
    %dma_wait3A_55 = arith.constant 0 : i32
    %dma_wait3A_56 = arith.constant 0 : i32
    %dma_wait3A_57 = tpu.memref_slice %arg6[%dma_wait3A, %dma_wait3A_55, %dma_wait3A_56] : memref<6x16x1024xf32, #tpu.memory_space<vmem>> -> memref<1x16x1024xf32, #tpu.memory_space<vmem>>
    %dma_wait3A_58 = tpu.memref_squeeze %dma_wait3A_57 : memref<1x16x1024xf32, #tpu.memory_space<vmem>> -> memref<16x1024xf32, #tpu.memory_space<vmem>>
    %dma_wait3A_59 = arith.constant 0 : i32
    %dma_wait3A_60 = tpu.memref_slice %arg4[%add3A_53, %dma_wait3A_59] : memref<16384x1024xf32, #tpu.memory_space<hbm>> -> memref<16x1024xf32, #tpu.memory_space<hbm>>
    %dma_wait3A_61 = tpu.memref_slice %arg8[%dma_wait3A_54] : memref<6x!tpu.dma_semaphore, #tpu.memory_space<semaphore_mem>> -> memref<1x!tpu.dma_semaphore, #tpu.memory_space<semaphore_mem>>
    %dma_wait3A_62 = tpu.memref_squeeze %dma_wait3A_61 : memref<1x!tpu.dma_semaphore, #tpu.memory_space<semaphore_mem>> -> memref<!tpu.dma_semaphore, #tpu.memory_space<semaphore_mem>>
    %dma_wait3A_63 = arith.constant 0 : i32
    %dma_wait3A_64 = tpu.memref_slice %arg4[%add3A_53, %dma_wait3A_63] : memref<16384x1024xf32, #tpu.memory_space<hbm>> -> memref<16x1024xf32, #tpu.memory_space<hbm>>
    %dma_wait3A_65 = arith.constant 0 : i32
    %dma_wait3A_66 = arith.constant 0 : i32
    %dma_wait3A_67 = tpu.memref_slice %arg6[%dma_wait3A, %dma_wait3A_65, %dma_wait3A_66] : memref<6x16x1024xf32, #tpu.memory_space<vmem>> -> memref<1x16x1024xf32, #tpu.memory_space<vmem>>
    %dma_wait3A_68 = tpu.memref_squeeze %dma_wait3A_67 : memref<1x16x1024xf32, #tpu.memory_space<vmem>> -> memref<16x1024xf32, #tpu.memory_space<vmem>>
    tpu.wait_dma2 semaphore(%dma_wait3A_62 : memref<!tpu.dma_semaphore, #tpu.memory_space<semaphore_mem>>) src(%dma_wait3A_68 : memref<16x1024xf32, #tpu.memory_space<vmem>>) dst(%dma_wait3A_64 : memref<16x1024xf32, #tpu.memory_space<hbm>>)
    %add3A_69 = arith.constant 432 : i32
    %add3A_70 = arith.addi %mul3A_2, %add3A_69 : i32
    %dma_wait3A_71 = arith.constant 3 : i32
    %dma_wait3A_72 = arith.constant 3 : i32
    %dma_wait3A_73 = arith.constant 0 : i32
    %dma_wait3A_74 = arith.constant 0 : i32
    %dma_wait3A_75 = tpu.memref_slice %arg6[%dma_wait3A_71, %dma_wait3A_73, %dma_wait3A_74] : memref<6x16x1024xf32, #tpu.memory_space<vmem>> -> memref<1x16x1024xf32, #tpu.memory_space<vmem>>
    %dma_wait3A_76 = tpu.memref_squeeze %dma_wait3A_75 : memref<1x16x1024xf32, #tpu.memory_space<vmem>> -> memref<16x1024xf32, #tpu.memory_space<vmem>>
    %dma_wait3A_77 = arith.constant 0 : i32
    %dma_wait3A_78 = tpu.memref_slice %arg4[%add3A_70, %dma_wait3A_77] : memref<16384x1024xf32, #tpu.memory_space<hbm>> -> memref<16x1024xf32, #tpu.memory_space<hbm>>
    %dma_wait3A_79 = tpu.memref_slice %arg8[%dma_wait3A_72] : memref<6x!tpu.dma_semaphore, #tpu.memory_space<semaphore_mem>> -> memref<1x!tpu.dma_semaphore, #tpu.memory_space<semaphore_mem>>
    %dma_wait3A_80 = tpu.memref_squeeze %dma_wait3A_79 : memref<1x!tpu.dma_semaphore, #tpu.memory_space<semaphore_mem>> -> memref<!tpu.dma_semaphore, #tpu.memory_space<semaphore_mem>>
    %dma_wait3A_81 = arith.constant 0 : i32
    %dma_wait3A_82 = tpu.memref_slice %arg4[%add3A_70, %dma_wait3A_81] : memref<16384x1024xf32, #tpu.memory_space<hbm>> -> memref<16x1024xf32, #tpu.memory_space<hbm>>
    %dma_wait3A_83 = arith.constant 0 : i32
    %dma_wait3A_84 = arith.constant 0 : i32
    %dma_wait3A_85 = tpu.memref_slice %arg6[%dma_wait3A_71, %dma_wait3A_83, %dma_wait3A_84] : memref<6x16x1024xf32, #tpu.memory_space<vmem>> -> memref<1x16x1024xf32, #tpu.memory_space<vmem>>
    %dma_wait3A_86 = tpu.memref_squeeze %dma_wait3A_85 : memref<1x16x1024xf32, #tpu.memory_space<vmem>> -> memref<16x1024xf32, #tpu.memory_space<vmem>>
    tpu.wait_dma2 semaphore(%dma_wait3A_80 : memref<!tpu.dma_semaphore, #tpu.memory_space<semaphore_mem>>) src(%dma_wait3A_86 : memref<16x1024xf32, #tpu.memory_space<vmem>>) dst(%dma_wait3A_82 : memref<16x1024xf32, #tpu.memory_space<hbm>>)
    %add3A_87 = arith.constant 448 : i32
    %add3A_88 = arith.addi %mul3A_2, %add3A_87 : i32
    %dma_wait3A_89 = arith.constant 4 : i32
    %dma_wait3A_90 = arith.constant 4 : i32
    %dma_wait3A_91 = arith.constant 0 : i32
    %dma_wait3A_92 = arith.constant 0 : i32
    %dma_wait3A_93 = tpu.memref_slice %arg6[%dma_wait3A_89, %dma_wait3A_91, %dma_wait3A_92] : memref<6x16x1024xf32, #tpu.memory_space<vmem>> -> memref<1x16x1024xf32, #tpu.memory_space<vmem>>
    %dma_wait3A_94 = tpu.memref_squeeze %dma_wait3A_93 : memref<1x16x1024xf32, #tpu.memory_space<vmem>> -> memref<16x1024xf32, #tpu.memory_space<vmem>>
    %dma_wait3A_95 = arith.constant 0 : i32
    %dma_wait3A_96 = tpu.memref_slice %arg4[%add3A_88, %dma_wait3A_95] : memref<16384x1024xf32, #tpu.memory_space<hbm>> -> memref<16x1024xf32, #tpu.memory_space<hbm>>
    %dma_wait3A_97 = tpu.memref_slice %arg8[%dma_wait3A_90] : memref<6x!tpu.dma_semaphore, #tpu.memory_space<semaphore_mem>> -> memref<1x!tpu.dma_semaphore, #tpu.memory_space<semaphore_mem>>
    %dma_wait3A_98 = tpu.memref_squeeze %dma_wait3A_97 : memref<1x!tpu.dma_semaphore, #tpu.memory_space<semaphore_mem>> -> memref<!tpu.dma_semaphore, #tpu.memory_space<semaphore_mem>>
    %dma_wait3A_99 = arith.constant 0 : i32
    %dma_wait3A_100 = tpu.memref_slice %arg4[%add3A_88, %dma_wait3A_99] : memref<16384x1024xf32, #tpu.memory_space<hbm>> -> memref<16x1024xf32, #tpu.memory_space<hbm>>
    %dma_wait3A_101 = arith.constant 0 : i32
    %dma_wait3A_102 = arith.constant 0 : i32
    %dma_wait3A_103 = tpu.memref_slice %arg6[%dma_wait3A_89, %dma_wait3A_101, %dma_wait3A_102] : memref<6x16x1024xf32, #tpu.memory_space<vmem>> -> memref<1x16x1024xf32, #tpu.memory_space<vmem>>
    %dma_wait3A_104 = tpu.memref_squeeze %dma_wait3A_103 : memref<1x16x1024xf32, #tpu.memory_space<vmem>> -> memref<16x1024xf32, #tpu.memory_space<vmem>>
    tpu.wait_dma2 semaphore(%dma_wait3A_98 : memref<!tpu.dma_semaphore, #tpu.memory_space<semaphore_mem>>) src(%dma_wait3A_104 : memref<16x1024xf32, #tpu.memory_space<vmem>>) dst(%dma_wait3A_100 : memref<16x1024xf32, #tpu.memory_space<hbm>>)
    %add3A_105 = arith.constant 464 : i32
    %add3A_106 = arith.addi %mul3A_2, %add3A_105 : i32
    %dma_wait3A_107 = arith.constant 5 : i32
    %dma_wait3A_108 = arith.constant 5 : i32
    %dma_wait3A_109 = arith.constant 0 : i32
    %dma_wait3A_110 = arith.constant 0 : i32
    %dma_wait3A_111 = tpu.memref_slice %arg6[%dma_wait3A_107, %dma_wait3A_109, %dma_wait3A_110] : memref<6x16x1024xf32, #tpu.memory_space<vmem>> -> memref<1x16x1024xf32, #tpu.memory_space<vmem>>
    %dma_wait3A_112 = tpu.memref_squeeze %dma_wait3A_111 : memref<1x16x1024xf32, #tpu.memory_space<vmem>> -> memref<16x1024xf32, #tpu.memory_space<vmem>>
    %dma_wait3A_113 = arith.constant 0 : i32
    %dma_wait3A_114 = tpu.memref_slice %arg4[%add3A_106, %dma_wait3A_113] : memref<16384x1024xf32, #tpu.memory_space<hbm>> -> memref<16x1024xf32, #tpu.memory_space<hbm>>
    %dma_wait3A_115 = tpu.memref_slice %arg8[%dma_wait3A_108] : memref<6x!tpu.dma_semaphore, #tpu.memory_space<semaphore_mem>> -> memref<1x!tpu.dma_semaphore, #tpu.memory_space<semaphore_mem>>
    %dma_wait3A_116 = tpu.memref_squeeze %dma_wait3A_115 : memref<1x!tpu.dma_semaphore, #tpu.memory_space<semaphore_mem>> -> memref<!tpu.dma_semaphore, #tpu.memory_space<semaphore_mem>>
    %dma_wait3A_117 = arith.constant 0 : i32
    %dma_wait3A_118 = tpu.memref_slice %arg4[%add3A_106, %dma_wait3A_117] : memref<16384x1024xf32, #tpu.memory_space<hbm>> -> memref<16x1024xf32, #tpu.memory_space<hbm>>
    %dma_wait3A_119 = arith.constant 0 : i32
    %dma_wait3A_120 = arith.constant 0 : i32
    %dma_wait3A_121 = tpu.memref_slice %arg6[%dma_wait3A_107, %dma_wait3A_119, %dma_wait3A_120] : memref<6x16x1024xf32, #tpu.memory_space<vmem>> -> memref<1x16x1024xf32, #tpu.memory_space<vmem>>
    %dma_wait3A_122 = tpu.memref_squeeze %dma_wait3A_121 : memref<1x16x1024xf32, #tpu.memory_space<vmem>> -> memref<16x1024xf32, #tpu.memory_space<vmem>>
    tpu.wait_dma2 semaphore(%dma_wait3A_116 : memref<!tpu.dma_semaphore, #tpu.memory_space<semaphore_mem>>) src(%dma_wait3A_122 : memref<16x1024xf32, #tpu.memory_space<vmem>>) dst(%dma_wait3A_118 : memref<16x1024xf32, #tpu.memory_space<hbm>>)
    %add3A_123 = arith.constant 480 : i32
    %add3A_124 = arith.addi %mul3A_2, %add3A_123 : i32
    %dma_wait3A_125 = arith.constant 0 : i32
    %dma_wait3A_126 = arith.constant 0 : i32
    %dma_wait3A_127 = arith.constant 0 : i32
    %dma_wait3A_128 = arith.constant 0 : i32
    %dma_wait3A_129 = tpu.memref_slice %arg6[%dma_wait3A_125, %dma_wait3A_127, %dma_wait3A_128] : memref<6x16x1024xf32, #tpu.memory_space<vmem>> -> memref<1x16x1024xf32, #tpu.memory_space<vmem>>
    %dma_wait3A_130 = tpu.memref_squeeze %dma_wait3A_129 : memref<1x16x1024xf32, #tpu.memory_space<vmem>> -> memref<16x1024xf32, #tpu.memory_space<vmem>>
    %dma_wait3A_131 = arith.constant 0 : i32
    %dma_wait3A_132 = tpu.memref_slice %arg4[%add3A_124, %dma_wait3A_131] : memref<16384x1024xf32, #tpu.memory_space<hbm>> -> memref<16x1024xf32, #tpu.memory_space<hbm>>
    %dma_wait3A_133 = tpu.memref_slice %arg8[%dma_wait3A_126] : memref<6x!tpu.dma_semaphore, #tpu.memory_space<semaphore_mem>> -> memref<1x!tpu.dma_semaphore, #tpu.memory_space<semaphore_mem>>
    %dma_wait3A_134 = tpu.memref_squeeze %dma_wait3A_133 : memref<1x!tpu.dma_semaphore, #tpu.memory_space<semaphore_mem>> -> memref<!tpu.dma_semaphore, #tpu.memory_space<semaphore_mem>>
    %dma_wait3A_135 = arith.constant 0 : i32
    %dma_wait3A_136 = tpu.memref_slice %arg4[%add3A_124, %dma_wait3A_135] : memref<16384x1024xf32, #tpu.memory_space<hbm>> -> memref<16x1024xf32, #tpu.memory_space<hbm>>
    %dma_wait3A_137 = arith.constant 0 : i32
    %dma_wait3A_138 = arith.constant 0 : i32
    %dma_wait3A_139 = tpu.memref_slice %arg6[%dma_wait3A_125, %dma_wait3A_137, %dma_wait3A_138] : memref<6x16x1024xf32, #tpu.memory_space<vmem>> -> memref<1x16x1024xf32, #tpu.memory_space<vmem>>
    %dma_wait3A_140 = tpu.memref_squeeze %dma_wait3A_139 : memref<1x16x1024xf32, #tpu.memory_space<vmem>> -> memref<16x1024xf32, #tpu.memory_space<vmem>>
    tpu.wait_dma2 semaphore(%dma_wait3A_134 : memref<!tpu.dma_semaphore, #tpu.memory_space<semaphore_mem>>) src(%dma_wait3A_140 : memref<16x1024xf32, #tpu.memory_space<vmem>>) dst(%dma_wait3A_136 : memref<16x1024xf32, #tpu.memory_space<hbm>>)
    %add3A_141 = arith.constant 496 : i32
    %add3A_142 = arith.addi %mul3A_2, %add3A_141 : i32
    %dma_wait3A_143 = arith.constant 1 : i32
    %dma_wait3A_144 = arith.constant 1 : i32
    %dma_wait3A_145 = arith.constant 0 : i32
    %dma_wait3A_146 = arith.constant 0 : i32
    %dma_wait3A_147 = tpu.memref_slice %arg6[%dma_wait3A_143, %dma_wait3A_145, %dma_wait3A_146] : memref<6x16x1024xf32, #tpu.memory_space<vmem>> -> memref<1x16x1024xf32, #tpu.memory_space<vmem>>
    %dma_wait3A_148 = tpu.memref_squeeze %dma_wait3A_147 : memref<1x16x1024xf32, #tpu.memory_space<vmem>> -> memref<16x1024xf32, #tpu.memory_space<vmem>>
    %dma_wait3A_149 = arith.constant 0 : i32
    %dma_wait3A_150 = tpu.memref_slice %arg4[%add3A_142, %dma_wait3A_149] : memref<16384x1024xf32, #tpu.memory_space<hbm>> -> memref<16x1024xf32, #tpu.memory_space<hbm>>
    %dma_wait3A_151 = tpu.memref_slice %arg8[%dma_wait3A_144] : memref<6x!tpu.dma_semaphore, #tpu.memory_space<semaphore_mem>> -> memref<1x!tpu.dma_semaphore, #tpu.memory_space<semaphore_mem>>
    %dma_wait3A_152 = tpu.memref_squeeze %dma_wait3A_151 : memref<1x!tpu.dma_semaphore, #tpu.memory_space<semaphore_mem>> -> memref<!tpu.dma_semaphore, #tpu.memory_space<semaphore_mem>>
    %dma_wait3A_153 = arith.constant 0 : i32
    %dma_wait3A_154 = tpu.memref_slice %arg4[%add3A_142, %dma_wait3A_153] : memref<16384x1024xf32, #tpu.memory_space<hbm>> -> memref<16x1024xf32, #tpu.memory_space<hbm>>
    %dma_wait3A_155 = arith.constant 0 : i32
    %dma_wait3A_156 = arith.constant 0 : i32
    %dma_wait3A_157 = tpu.memref_slice %arg6[%dma_wait3A_143, %dma_wait3A_155, %dma_wait3A_156] : memref<6x16x1024xf32, #tpu.memory_space<vmem>> -> memref<1x16x1024xf32, #tpu.memory_space<vmem>>
    %dma_wait3A_158 = tpu.memref_squeeze %dma_wait3A_157 : memref<1x16x1024xf32, #tpu.memory_space<vmem>> -> memref<16x1024xf32, #tpu.memory_space<vmem>>
    tpu.wait_dma2 semaphore(%dma_wait3A_152 : memref<!tpu.dma_semaphore, #tpu.memory_space<semaphore_mem>>) src(%dma_wait3A_158 : memref<16x1024xf32, #tpu.memory_space<vmem>>) dst(%dma_wait3A_154 : memref<16x1024xf32, #tpu.memory_space<hbm>>)
    return
  }
}

</mosaic_0001>

<sc_bundles>
// kernel: kernel.3.cloned.1.call-start
scs
__scs_entry_jumppad:
0x0: {  	(pc) =	sbr.rel $0x88, $3  }
0x1: {  	(tag) =	ssettag $0x0;
	lr =	simm.s32 $0x1  }
0x2: {  	[smem:$0x3F9F] =	sst lr;
	_ =	strace $0xD0000000  }
0x3: {  	_ = 	snop  }
0x4: {  	_ = 	snop  }
0x5: {  	_ = 	snop  }
0x6: {  	_ = 	snop  }
0x7: {  	_ = 	snop  }
__scs_overlays_trampoline_lowered:
0x8: {  	[smem:$0x3FAE] =	sst s0  }
0x9: {  	[smem:$0x3FAF] =	sst s1  }
0xa: {  	[smem:$0x3FB0] =	sst s2  }
0xb: {  	[smem:$0x3FB1] =	sst s3  }
0xc: {  	[smem:$0x3FB2] =	sst s4  }
0xd: {  	[smem:$0x3FB3] =	sst s5  }
0xe: {  	[smem:$0x3FB4] =	sst s6  }
0xf: {  	[smem:$0x3FB5] =	sst s7  }
0x10: {  	[smem:$0x3FB6] =	sst s8  }
0x11: {  	[smem:$0x3FB7] =	sst s9;
	s0 =	simm.s32 @!p0 $0x0  }
0x12: {  	s1 =	sld [smem:$0x3F9D];
	s0 =	simm.s32 @p0 $0x1  }
0x13: {  	[smem:$0x3FB8] =	sst s0;
	s0 =	simm.s32 @!p1 $0x0  }
0x14: {  	s2 =	sld [smem:$0x3F9C];
	s0 =	simm.s32 @p1 $0x1  }
0x15: {  	[smem:$0x3FB9] =	sst s0;
	s0 =	simm.s32 @!p2 $0x0  }
0x16: {  	s3 =	sld [smem:$0x3FDB];
	s0 =	simm.s32 @p2 $0x1  }
0x17: {  	s4 =	simm.s32 $0x1BF5;
	[smem:$0x3FBB] =	sst s0  }
0x18: {  	s0 =	sld [smem:$0x3F9E];
	_ =	swait.ge [sflag:s4], $0x0  }
0x19: {  	s7 =	sld [smem:$0x3F9F]  }
0x1a: {  	s8 =	sadd.s32 $0xFFFFE003, lr  }
0x1b: {  	s9 =	sadd.s32 $0xFFFFFEF7, lr;
	s5 =	simm.s32 $0xFFFFFFFF;
	p2 =	slt.u32 s8, $0xFFFFF086  }
0x1c: {  	p1 =	slt.u32 s9, $0xF7A;
	s5 =	simm.s32 @!p2 $0x0  }
0x1d: {  	s5 =	simm.s32 @p1 $0x1;
	p0 =	seq.s32 s7, s2  }
0x1e: {  	s7 =	smul.u32 @!p0 $0xF7A, s2;
	p2 =	seq.s32 @!p0 s5, $0x0  }
0x1f: {  	s9 =	smul.u32 $0xF7A, s1;
	s8 =	simm.s32 @!p0 $0x1BF5;
	p2 =	por !p2, p0  }
0x20: {  	[sflag:s8] =	ssyncset.s32 @!p0 $0xFFFFF086;
	s6 =	sadd.s32 @!p0 s3, s7;
	s7 =	simm.s32 @!p0 $0x108  }
0x21: {  	s3 =	sadd.s32 s3, s9;
	s6 =	sadd.s32 @!p0 $0x88, s6;
	s7 =	simm.s32 @p2 $0x1082  }
0x22: {  	[simem:s7], [sflag:s8] =	dma.local @!p0 [hbm:s6], $0xF7A  }
0x23: {  	s9 =	sor.u32 $0xD0000000, s2;
	s6 =	simm.s32 $0x108;
	_ =	swait.ge @!p0 [sflag:s8], $0x0  }
0x24: {  	s3 =	sadd.s32 $0x88, s3;
	s6 =	simm.s32 @!p1 $0x1082;
	[sflag:s4] =	ssyncset.s32 $0xFFFFF086  }
0x25: {  	[simem:s6], [sflag:s4] =	dma.local [hbm:s3], $0xF7A  }
0x26: {  	[smem:$0x3F9F] =	sst s1;
	(tag) =	ssettag s2;
	_ =	strace s9  }
0x27: {  	s1 =	sld [smem:$0x3FAF]  }
0x28: {  	s2 =	sld [smem:$0x3FB0]  }
0x29: {  	s4 =	sld [smem:$0x3FB2]  }
0x2a: {  	p0 =	seq.s32 s5, $0x0;
	s5 =	sld [smem:$0x3FB3]  }
0x2b: {  	s6 =	sld [smem:$0x3FB4]  }
0x2c: {  	s7 =	sld [smem:$0x3FB5]  }
0x2d: {  	s3 =	simm.s32 $0x108;
	s8 =	sld [smem:$0x3FB6]  }
0x2e: {  	s3 =	simm.s32 @!p0 $0x1082;
	s9 =	sld [smem:$0x3FB7]  }
0x2f: {  	lr =	sadd.s32 s0, s3;
	s0 =	sld [smem:$0x3FAE]  }
0x30: {  	s3 =	sld [smem:$0x3FB1]  }
0x31: {  	[smem:$0x3FBA] =	sst s10  }
0x32: {  	s10 =	sld [smem:$0x3FB8];
	_ =	sdelay $0x3  }
0x33: {  	p0 =	seq.s32 s10, $0x1;
	s10 =	sld [smem:$0x3FBA];
	_ =	sdelay $0x3  }
0x34: {  	[smem:$0x3FBA] =	sst s10  }
0x35: {  	s10 =	sld [smem:$0x3FB9];
	_ =	sdelay $0x3  }
0x36: {  	p1 =	seq.s32 s10, $0x1;
	s10 =	sld [smem:$0x3FBA];
	_ =	sdelay $0x3  }
0x37: {  	[smem:$0x3FBA] =	sst s10  }
0x38: {  	s10 =	sld [smem:$0x3FBB]  }
0x39: {  	_ = 	snop;
	(pc) =	sbr.ind lr, $3  }
0x3a: {  	_ = 	snop  }
0x3b: {  	_ = 	snop  }
0x3c: {  	p2 =	seq.s32 s10, $0x1;
	s10 =	sld [smem:$0x3FBA]  }
0x3d: {  	_ =	shalt  }
0x3e: {  	_ =	shalt  }
0x3f: {  	_ =	shalt  }
0x40: {  	_ =	shalt  }
0x41: {  	_ =	shalt  }
0x42: {  	_ =	shalt  }
0x43: {  	_ =	shalt  }
0x44: {  	_ =	shalt  }
0x45: {  	_ =	shalt  }
0x46: {  	_ =	shalt  }
0x47: {  	_ =	shalt  }
0x48: {  	_ =	shalt  }
0x49: {  	_ =	shalt  }
0x4a: {  	_ =	shalt  }
0x4b: {  	_ =	shalt  }
0x4c: {  	_ =	shalt  }
0x4d: {  	_ =	shalt  }
0x4e: {  	_ =	shalt  }
0x4f: {  	_ =	shalt  }
0x50: {  	_ =	shalt  }
0x51: {  	_ =	shalt  }
0x52: {  	_ =	shalt  }
0x53: {  	_ =	shalt  }
0x54: {  	_ =	shalt  }
0x55: {  	_ =	shalt  }
0x56: {  	_ =	shalt  }
0x57: {  	_ =	shalt  }
0x58: {  	_ =	shalt  }
0x59: {  	_ =	shalt  }
0x5a: {  	_ =	shalt  }
0x5b: {  	_ =	shalt  }
0x5c: {  	_ =	shalt  }
0x5d: {  	_ =	shalt  }
0x5e: {  	_ =	shalt  }
0x5f: {  	_ =	shalt  }
0x60: {  	_ =	shalt  }
0x61: {  	_ =	shalt  }
0x62: {  	_ =	shalt  }
0x63: {  	_ =	shalt  }
0x64: {  	_ =	shalt  }
0x65: {  	_ =	shalt  }
0x66: {  	_ =	shalt  }
0x67: {  	_ =	shalt  }
0x68: {  	_ =	shalt  }
0x69: {  	_ =	shalt  }
0x6a: {  	_ =	shalt  }
0x6b: {  	_ =	shalt  }
0x6c: {  	_ =	shalt  }
0x6d: {  	_ =	shalt  }
0x6e: {  	_ =	shalt  }
0x6f: {  	_ =	shalt  }
0x70: {  	_ =	shalt  }
0x71: {  	_ =	shalt  }
0x72: {  	_ =	shalt  }
0x73: {  	_ =	shalt  }
0x74: {  	_ =	shalt  }
0x75: {  	_ =	shalt  }
0x76: {  	_ =	shalt  }
0x77: {  	_ =	shalt  }
0x78: {  	_ =	shalt  }
0x79: {  	_ =	shalt  }
0x7a: {  	_ =	shalt  }
0x7b: {  	_ =	shalt  }
0x7c: {  	_ =	shalt  }
0x7d: {  	_ =	shalt  }
0x7e: {  	_ =	shalt  }
0x7f: {  	_ =	shalt  }
0x80: {  	_ =	shalt  }
0x81: {  	_ =	shalt  }
0x82: {  	_ =	shalt  }
0x83: {  	_ =	shalt  }
0x84: {  	_ =	shalt  }
0x85: {  	_ =	shalt  }
0x86: {  	_ =	shalt  }
0x87: {  	_ =	shalt  }
.Lfunc_end0:
.L_simem_size_0:
called_computation_lowered:
.L_overlay_start_0:
0x88: {  	s2 =	sld [smem:$0x3FD9]  }
0x89: {  	s3 =	sld [smem:$0x3FFE];
	_ =	sdelay $0x1  }
0x8a: {  	s1 =	srdreg.scid  }
0x8b: {  	s0 =	sand.u32 $0x1, s1  }
0x8c: {  	s17 =	sshll.u32 s0, $0xA;
	s2 =	sadd.s32 s3, s2  }
0x8d: {  	s2 =	sadd.s32 s2, s17  }
0x8e: {  	[smem:$0x3FC6] =	sst s2  }
0x8f: {  	_ = 	snop  }
0x90: {  	s2 =	sld [smem:$0x3FC8]  }
0x91: {  	s18 =	sld [smem:$0x3FD0];
	(tm) =	ssettm $0x1  }
0x92: {  	s4 =	sld [smem:$0x3FFB];
	_ =	sdelay $0x3  }
0x93: {  	_ =	strace s4  }
0x94: {  	s4 =	sld [smem:$0x3FFC];
	_ =	sdelay $0x3  }
0x95: {  	_ =	strace s4  }
0x96: {  	s4 =	sld [smem:$0x3FFD];
	_ =	sdelay $0x3  }
0x97: {  	_ =	strace s4  }
0x98: {  	_ =	strace $0x8FFFFFFF  }
0x99: {  	s19 =	sld [smem:$0x3FDB];
	_ =	sdelay $0x1  }
0x9a: {  	s5 =	simm.s32 $_scs_section_size  }
0x9b: {  	s6 =	simm.s32 $_size__tile_overlayer_lowered;
	s7 =	simm.s32 $_tile_overlayer_lowered  }
0x9c: {  	s22 =	simm.s32 $0x1BFF;
	s21 =	sshll.u32 s7, $0x1;
	s4 =	sadd.s32 s5, s19  }
0x9d: {  	s8 =	simm.s32 $0x0;
	s20 =	sshll.u32 s6, $0x1;
	s6 =	sadd.s32 s21, s4  }
0x9e: {  	[timem:s8], [sflag:s22] =	dma.local [hbm:s6], s20  }
0x9f: {  	_ =	swait.ge [sflag:s22], s20  }
0xa0: {  	s5 =	ssub.s32 $0x0, s20;
	[sflag:s22] =	ssyncset.done $0x0  }
0xa1: {  	[sflag:s22] =	ssyncadd.s32 s5;
	_ =	sdelay $0x1  }
0xa2: {  	s23 =	simm.s32 $0x1B8B  }
0xa3: {  	_ =	swait.ge [sflag:s23], $0x1  }
0xa4: {  	[sflag:s23] =	ssyncset.done $0x0  }
0xa5: {  	s25 =	simm.s32 $0x1B8E;
	s24 =	sld [smem:$0x3FFE];
	[sflag:s23] =	ssyncadd.s32 $0xFFFFFFFF  }
0xa6: {  	s26 =	simm.s32 $execute0_lowered;
	[smem:$0x3FD2] =	sst s25  }
0xa7: {  	s6 =	sshll.u32 s26, $0x1;
	_ =	strace $0x80000046;
	[dreg:$0x1] =	wrdreg $0xFFFFFFFF  }
0xa8: {  	s28 =	simm.s32 $_size_execute0_lowered;
	s4 =	sadd.s32 s4, s6;
	[dreg:$0x0] =	wrdreg $0x0  }
0xa9: {  	s6 =	sshll.u32 s28, $0x1;
	[dreg:$0x2] =	wrdreg s4  }
0xaa: {  	[dreg:$0x3] =	wrdreg s6  }
0xab: {  	[dreg:$0x4] =	wrdreg $0xC0  }
0xac: {  	_ =	task [dreg:s8], $0x5FFFF  }
0xad: {  	[dreg:$0x1] =	wrdreg $0xFFFFFFFF  }
0xae: {  	[dreg:$0x0] =	wrdreg $0x60  }
0xaf: {  	[dreg:$0x2] =	wrdreg s24  }
0xb0: {  	[dreg:$0x3] =	wrdreg s2  }
0xb1: {  	[dreg:$0x4] =	wrdreg s18  }
0xb2: {  	[dreg:$0x5] =	wrdreg $0x9  }
0xb3: {  	_ =	task.clear_ibuf [dreg:s8], $0x6FFFF;
	_ =	strace $0x90000046  }
0xb4: {  	s29 =	simm.s32 $0x9;
	_ =	strace $0x80000048  }
0xb5: {  	_ =	swait.ge [sflag:s29], $0x1  }
0xb6: {  	[sflag:s29] =	ssyncadd.s32 $0xFFFFFFFF  }
0xb7: {  	_ =	strace $0x90000048  }
0xb8: {  	_ =	sfence  }
0xb9: {  	s30 =	sld [smem:$0x0];
	_ =	sdelay $0x2  }
0xba: {  	s31 =	sshll.u32 s1, $0xD;
	s1 =	sshrl.u32 s1, $0x2  }
0xbb: {  	s3 =	sand.u32 $0x4000, s31;
	s1 =	sadd.s32 s1, s30  }
0xbc: {  	s0 =	sor.u32 s3, s0;
	s1 =	sshll.u32 s1, $0x11  }
0xbd: {  	s0 =	sor.u32 s1, s0  }
0xbe: {  	s0 =	sadd.s32 $0x8F2B, s0  }
0xbf: {  	[sflag:s0] =	ssyncadd.remote.s32 $0x1  }
0xc0: {  	_ =	sfence.sel $0xFFFF  }
0xc1: {  	[dreg:$0x0] =	wrdreg $0xFFFFFFFF;
	(pc) =	sbr.abs _section_cstart, $3  }
0xc2: {  	[dreg:$0x1] =	wrdreg $0xFFFFFFFF  }
0xc3: {  	_ =	task.clear_ibuf [dreg:s8], $0x2FFFF;
	_ =	strace $0x9FFFFFFF  }
0xc4: {  	(tm) =	ssettm $0x7FFFFFFF  }
0xc5: {  	_ =	shalt  }
tec
execute0_lowered:
.L_overlay_start_1:
0x0: {  	(tag) =	ssettag $0x1  }
0x1: {  	s0 =	rddreg [dreg:$0x0]  }
0x2: {  	s2 =	rddreg [dreg:$0x1]  }
0x3: {  	s1 =	rddreg [dreg:$0x2];
	s3 =	srdreg.scid  }
0x4: {  	s5 =	stileid.u32;
	s10 =	simm.s32 $0xD;
	s30 =	simm.s32 $0xA000  }
0x5: {  	s31 =	simm.s32 $0xA800;
	s11 =	simm.s32 $0xC000;
	s12 =	simm.s32 $0xC800  }
0x6: {  	s13 =	simm.s32 $0x9;
	s14 =	simm.s32 $0xA;
	s15 =	simm.s32 $0xB  }
0x7: {  	s16 =	simm.s32 $0xC;
	s17 =	simm.s32 $0x7;
	s18 =	simm.s32 $0x8  }
0x8: {  	s19 =	simm.s32 $0x0;
	s4 =	sand.u32 $0x1, s3;
	s5 =	sshll.u32 s5, $0x1  }
0x9: {  	s3 =	simm.s32 $0x0;
	s5 =	sor.u32 s4, s5;
	s4 =	ssub.s32 $0x2, s4  }
0xa: {  	[smem:$0x7FF] =	sst s3;
	s6 =	sshll.u32 s5, $0x9;
	s7 =	sshrl.u32 s4, $0x1  }
0xb: {  	_ =	strace $0x80000047;
	s8 =	sshll.u32 s5, $0x10;
	s5 =	sadd.s32 $0x100, s2  }
0xc: {  	v2 =	vlaneseq.u32;
	s0 =	sadd.s32 s6, s0;
	s9 =	ssub.s32 s4, s7;
	s6 =	sadd.s32 $0x200, s2  }
0xd: {  	vm0 =	vmmov $0xffff;
	v1 =	vshrl.u32 v2, $0x3;
	s7 =	sadd.s32 $0x300, s2;
	s8 =	sadd.s32 s1, s8;
	s1 =	simm.s32 $0xB800  }
0xe: {  	v0 =	vand.u32 $0x7, v2;
	v2 =	vor.u32 $0x8, v2;
	v1 =	vmul.u32 $0x8, v1;
	s4 =	sadd.s32 $0x400, s0;
	s9 =	smax.u32 s9, $0x1;
	s0 =	simm.s32 $0xB000  }
.LBB2_1:
0xf: {  	[tilespmem:s3], [sflag:$0xD] =	stream.linear.gather [hbm4b:s4+s3], $0x1000, $0x38;
	[tilespmem:$0x19000] =	vst v63  }
0x10: {  	_ =	swait.ge [sflag:s10], $0x1000  }
0x11: {  	[sflag:s10] =	ssyncset.done $0x0  }
0x12: {  	[sflag:s10] =	ssyncadd.s32 $0xFFFFF000  }
0x13: {  	v3 =	vld [tilespmem:$0x0];
	_ =	sdelay $0x4  }
0x14: {  	v4 =	vshll.u32 v3, $0x3  }
0x15: {  	v3 =	vand.u32 $0x7, v3;
	v4 =	vand.u32 $0xFFFFFFC0, v4  }
0x16: {  	v3 =	vor.u32 v3, v4  }
0x17: {  	v4 =	vperm.xlane v3, v0;
	_ =	sdelay $0x1  }
0x18: {  	v4 =	vadd.s32 v1, v4;
	_ =	sdelay $0x3  }
0x19: {  	s20 =	simm.s32 $0x1000  }
0x1a: {  	[tilespmem:s20], [sflag:$0x1] =	stream.indirect_vreg.gather [hbm4b:s2+s3], $0x80, v4, vm0, $0xb8;
	[tilespmem:$0x19000] =	vst v63  }
0x1b: {  	s29 =	simm.s32 $0x1800;
	v3 =	vperm.xlane v3, v2  }
0x1c: {  	[tilespmem:s29], [sflag:$0x1] =	stream.indirect_vreg.gather [hbm4b:s5+s3], $0x80, v4, vm0, $0xb8;
	[tilespmem:$0x19000] =	vst v63  }
0x1d: {  	s21 =	simm.s32 $0x2000;
	v3 =	vadd.s32 v1, v3  }
0x1e: {  	[tilespmem:s21], [sflag:$0x1] =	stream.indirect_vreg.gather [hbm4b:s6+s3], $0x80, v4, vm0, $0xb8;
	[tilespmem:$0x19000] =	vst v63  }
0x1f: {  	s22 =	simm.s32 $0x2800  }
0x20: {  	[tilespmem:s22], [sflag:$0x1] =	stream.indirect_vreg.gather [hbm4b:s7+s3], $0x80, v4, vm0, $0xb8;
	[tilespmem:$0x19000] =	vst v63  }
0x21: {  	s23 =	simm.s32 $0x3000  }
0x22: {  	[tilespmem:s23], [sflag:$0x1] =	stream.indirect_vreg.gather [hbm4b:s2+s3], $0x80, v3, vm0, $0xb8;
	[tilespmem:$0x19000] =	vst v63  }
0x23: {  	s24 =	simm.s32 $0x3800  }
0x24: {  	[tilespmem:s24], [sflag:$0x1] =	stream.indirect_vreg.gather [hbm4b:s5+s3], $0x80, v3, vm0, $0xb8;
	[tilespmem:$0x19000] =	vst v63  }
0x25: {  	s25 =	simm.s32 $0x4000  }
0x26: {  	[tilespmem:s25], [sflag:$0x1] =	stream.indirect_vreg.gather [hbm4b:s6+s3], $0x80, v3, vm0, $0xb8;
	[tilespmem:$0x19000] =	vst v63  }
0x27: {  	s26 =	simm.s32 $0x4800  }
0x28: {  	[tilespmem:s26], [sflag:$0x1] =	stream.indirect_vreg.gather [hbm4b:s7+s3], $0x80, v3, vm0, $0xb8;
	[tilespmem:$0x19000] =	vst v63  }
0x29: {  	v3 =	vld [tilespmem:$0x80];
	_ =	sdelay $0x4  }
0x2a: {  	v62 =	vshll.u32 v3, $0x3  }
0x2b: {  	v3 =	vand.u32 $0x7, v3;
	v4 =	vand.u32 $0xFFFFFFC0, v62  }
0x2c: {  	v3 =	vor.u32 v3, v4  }
0x2d: {  	v4 =	vperm.xlane v3, v0;
	_ =	sdelay $0x1  }
0x2e: {  	v4 =	vadd.s32 v1, v4;
	_ =	sdelay $0x3  }
0x2f: {  	s28 =	simm.s32 $0x5000  }
0x30: {  	[tilespmem:s28], [sflag:$0x2] =	stream.indirect_vreg.gather [hbm4b:s2+s3], $0x80, v4, vm0, $0xb8;
	[tilespmem:$0x19000] =	vst v63  }
0x31: {  	s29 =	simm.s32 $0x5800;
	v3 =	vperm.xlane v3, v2  }
0x32: {  	[tilespmem:s29], [sflag:$0x2] =	stream.indirect_vreg.gather [hbm4b:s5+s3], $0x80, v4, vm0, $0xb8;
	[tilespmem:$0x19000] =	vst v63  }
0x33: {  	s21 =	simm.s32 $0x6000;
	v3 =	vadd.s32 v1, v3  }
0x34: {  	[tilespmem:s21], [sflag:$0x2] =	stream.indirect_vreg.gather [hbm4b:s6+s3], $0x80, v4, vm0, $0xb8;
	[tilespmem:$0x19000] =	vst v63  }
0x35: {  	s22 =	simm.s32 $0x6800  }
0x36: {  	[tilespmem:s22], [sflag:$0x2] =	stream.indirect_vreg.gather [hbm4b:s7+s3], $0x80, v4, vm0, $0xb8;
	[tilespmem:$0x19000] =	vst v63  }
0x37: {  	s23 =	simm.s32 $0x7000  }
0x38: {  	[tilespmem:s23], [sflag:$0x2] =	stream.indirect_vreg.gather [hbm4b:s2+s3], $0x80, v3, vm0, $0xb8;
	[tilespmem:$0x19000] =	vst v63  }
0x39: {  	s24 =	simm.s32 $0x7800  }
0x3a: {  	[tilespmem:s24], [sflag:$0x2] =	stream.indirect_vreg.gather [hbm4b:s5+s3], $0x80, v3, vm0, $0xb8;
	[tilespmem:$0x19000] =	vst v63  }
0x3b: {  	s25 =	simm.s32 $0x8000  }
0x3c: {  	[tilespmem:s25], [sflag:$0x2] =	stream.indirect_vreg.gather [hbm4b:s6+s3], $0x80, v3, vm0, $0xb8;
	[tilespmem:$0x19000] =	vst v63  }
0x3d: {  	s26 =	simm.s32 $0x8800  }
0x3e: {  	[tilespmem:s26], [sflag:$0x2] =	stream.indirect_vreg.gather [hbm4b:s7+s3], $0x80, v3, vm0, $0xb8;
	[tilespmem:$0x19000] =	vst v63  }
0x3f: {  	v3 =	vld [tilespmem:$0x100];
	_ =	sdelay $0x4  }
0x40: {  	v63 =	vshll.u32 v3, $0x3  }
0x41: {  	v3 =	vand.u32 $0x7, v3;
	v4 =	vand.u32 $0xFFFFFFC0, v63  }
0x42: {  	v3 =	vor.u32 v3, v4  }
0x43: {  	v4 =	vperm.xlane v3, v0;
	_ =	sdelay $0x1  }
0x44: {  	v4 =	vadd.s32 v1, v4;
	_ =	sdelay $0x3  }
0x45: {  	s28 =	simm.s32 $0x9000  }
0x46: {  	[tilespmem:s28], [sflag:$0x3] =	stream.indirect_vreg.gather [hbm4b:s2+s3], $0x80, v4, vm0, $0xb8;
	[tilespmem:$0x19000] =	vst v63  }
0x47: {  	s29 =	simm.s32 $0x9800;
	v3 =	vperm.xlane v3, v2  }
0x48: {  	[tilespmem:s29], [sflag:$0x3] =	stream.indirect_vreg.gather [hbm4b:s5+s3], $0x80, v4, vm0, $0xb8;
	[tilespmem:$0x19000] =	vst v63  }
0x49: {  	v3 =	vadd.s32 v1, v3  }
0x4a: {  	[tilespmem:s30], [sflag:$0x3] =	stream.indirect_vreg.gather [hbm4b:s6+s3], $0x80, v4, vm0, $0xb8;
	[tilespmem:$0x19000] =	vst v63  }
0x4b: {  	_ = 	snop  }
0x4c: {  	[tilespmem:s31], [sflag:$0x3] =	stream.indirect_vreg.gather [hbm4b:s7+s3], $0x80, v4, vm0, $0xb8;
	[tilespmem:$0x19000] =	vst v63  }
0x4d: {  	_ = 	snop  }
0x4e: {  	[tilespmem:s0], [sflag:$0x3] =	stream.indirect_vreg.gather [hbm4b:s2+s3], $0x80, v3, vm0, $0xb8;
	[tilespmem:$0x19000] =	vst v63  }
0x4f: {  	_ = 	snop  }
0x50: {  	[tilespmem:s1], [sflag:$0x3] =	stream.indirect_vreg.gather [hbm4b:s5+s3], $0x80, v3, vm0, $0xb8;
	[tilespmem:$0x19000] =	vst v63  }
0x51: {  	_ = 	snop  }
0x52: {  	[tilespmem:s11], [sflag:$0x3] =	stream.indirect_vreg.gather [hbm4b:s6+s3], $0x80, v3, vm0, $0xb8;
	[tilespmem:$0x19000] =	vst v63  }
0x53: {  	s20 =	simm.s32 $0x0  }
0x54: {  	[tilespmem:s12], [sflag:$0x3] =	stream.indirect_vreg.gather [hbm4b:s7+s3], $0x80, v3, vm0, $0xb8;
	[tilespmem:$0x19000] =	vst v63  }
.LBB2_2:
0x55: {  	s21 =	smul.u32 $0xAB, s20;
	_ =	sdelay $0x1  }
0x56: {  	s21 =	sshrl.u32 s21, $0xA  }
0x57: {  	s21 =	sand.u32 $0x3F, s21  }
0x58: {  	s21 =	smul.u32 $0x6, s21;
	_ =	sdelay $0x1  }
0x59: {  	s21 =	ssub.s32 s20, s21  }
0x5a: {  	s21 =	sand.u32 $0xFF, s21  }
0x5b: {  	s24 =	simm.s32 $0x0;
	s23 =	sadd.s32 $0x1, s21;
	s22 =	sshll.u32 s21, $0xE  }
0x5c: {  	s25 =	sand.u32 $0x2000, s24;
	_ =	swait.ge [sflag:s23], $0x4000;
	s22 =	sor.u32 $0x1000, s22  }
0x5d: {  	s26 =	sand.u32 $0x300, s24;
	[sflag:s23] =	ssyncset.done $0x0;
	s25 =	sadd.s32 s25, s22  }
0x5e: {  	[sflag:s23] =	ssyncadd.s32 $0xFFFFC000;
	s23 =	sadd.s32 s26, s25  }
0x5f: {  	v3 =	vld [tilespmem:s23+$0x0]  }
0x60: {  	v4 =	vld [tilespmem:s23+$0x10]  }
0x61: {  	v5 =	vld [tilespmem:s23+$0x20]  }
0x62: {  	v6 =	vld [tilespmem:s23+$0x30]  }
0x63: {  	v7 =	vld [tilespmem:s23+$0x40]  }
0x64: {  	v8 =	vld [tilespmem:s23+$0x50];
	v3 =	vmul.f32 $3.200000000e+01, v3  }
0x65: {  	v9 =	vld [tilespmem:s23+$0x60];
	v4 =	vmul.f32 $3.200000000e+01, v4  }
0x66: {  	v11 =	vld [tilespmem:s23+$0x90];
	v5 =	vmul.f32 $3.200000000e+01, v5;
	[tilespmem:s23+$0x0] =	vst v3  }
0x67: {  	v12 =	vld [tilespmem:s23+$0xA0];
	v6 =	vmul.f32 $3.200000000e+01, v6;
	[tilespmem:s23+$0x10] =	vst v4  }
0x68: {  	v13 =	vld [tilespmem:s23+$0xB0];
	v7 =	vmul.f32 $3.200000000e+01, v7;
	[tilespmem:s23+$0x20] =	vst v5  }
0x69: {  	v14 =	vld [tilespmem:s23+$0xC0];
	v8 =	vmul.f32 $3.200000000e+01, v8;
	[tilespmem:s23+$0x30] =	vst v6  }
0x6a: {  	v15 =	vld [tilespmem:s23+$0xD0];
	v9 =	vmul.f32 $3.200000000e+01, v9;
	[tilespmem:s23+$0x40] =	vst v7  }
0x6b: {  	v35 =	vld [tilespmem:s23+$0x830];
	v11 =	vmul.f32 $3.200000000e+01, v11;
	[tilespmem:s23+$0x50] =	vst v8  }
0x6c: {  	v36 =	vld [tilespmem:s23+$0x840];
	v12 =	vmul.f32 $3.200000000e+01, v12;
	[tilespmem:s23+$0x60] =	vst v9  }
0x6d: {  	v37 =	vld [tilespmem:s23+$0x850];
	v13 =	vmul.f32 $3.200000000e+01, v13;
	[tilespmem:s23+$0x90] =	vst v11  }
0x6e: {  	v38 =	vld [tilespmem:s23+$0x860];
	v14 =	vmul.f32 $3.200000000e+01, v14;
	[tilespmem:s23+$0xA0] =	vst v12  }
0x6f: {  	v39 =	vld [tilespmem:s23+$0x4F0];
	v15 =	vmul.f32 $3.200000000e+01, v15;
	[tilespmem:s23+$0xB0] =	vst v13  }
0x70: {  	v40 =	vld [tilespmem:s23+$0x880];
	[tilespmem:s23+$0xC0] =	vst v14;
	v12 =	vmul.f32 $3.200000000e+01, v35  }
0x71: {  	v41 =	vld [tilespmem:s23+$0x890];
	[tilespmem:s23+$0xD0] =	vst v15;
	v13 =	vmul.f32 $3.200000000e+01, v36  }
0x72: {  	v42 =	vld [tilespmem:s23+$0x8A0];
	v14 =	vmul.f32 $3.200000000e+01, v37;
	[tilespmem:s23+$0x830] =	vst v12  }
0x73: {  	v43 =	vld [tilespmem:s23+$0x1000];
	v15 =	vmul.f32 $3.200000000e+01, v38;
	[tilespmem:s23+$0x840] =	vst v13  }
0x74: {  	v44 =	vld [tilespmem:s23+$0x1010];
	[tilespmem:s23+$0x850] =	vst v14;
	v12 =	vmul.f32 $3.200000000e+01, v39  }
0x75: {  	v45 =	vld [tilespmem:s23+$0x1020];
	[tilespmem:s23+$0x860] =	vst v15;
	v13 =	vmul.f32 $3.200000000e+01, v40  }
0x76: {  	v46 =	vld [tilespmem:s23+$0x1030];
	v14 =	vmul.f32 $3.200000000e+01, v41;
	[tilespmem:s23+$0x4F0] =	vst v12  }
0x77: {  	v3 =	vld [tilespmem:s23+$0x70];
	v15 =	vmul.f32 $3.200000000e+01, v42;
	[tilespmem:s23+$0x880] =	vst v13  }
0x78: {  	v4 =	vld [tilespmem:s23+$0x400];
	[tilespmem:s23+$0x890] =	vst v14;
	v12 =	vmul.f32 $3.200000000e+01, v43  }
0x79: {  	v5 =	vld [tilespmem:s23+$0x410];
	[tilespmem:s23+$0x8A0] =	vst v15;
	v13 =	vmul.f32 $3.200000000e+01, v44  }
0x7a: {  	v6 =	vld [tilespmem:s23+$0x420];
	v14 =	vmul.f32 $3.200000000e+01, v45;
	[tilespmem:s23+$0x1000] =	vst v12  }
0x7b: {  	v7 =	vld [tilespmem:s23+$0x430];
	v15 =	vmul.f32 $3.200000000e+01, v46;
	[tilespmem:s23+$0x1010] =	vst v13  }
0x7c: {  	v8 =	vld [tilespmem:s23+$0x440];
	v3 =	vmul.f32 $3.200000000e+01, v3;
	[tilespmem:s23+$0x1020] =	vst v14  }
0x7d: {  	v9 =	vld [tilespmem:s23+$0x450];
	v4 =	vmul.f32 $3.200000000e+01, v4;
	[tilespmem:s23+$0x1030] =	vst v15  }
0x7e: {  	v11 =	vld [tilespmem:s23+$0x820];
	v5 =	vmul.f32 $3.200000000e+01, v5;
	[tilespmem:s23+$0x70] =	vst v3  }
0x7f: {  	v47 =	vld [tilespmem:s23+$0xCC0];
	v6 =	vmul.f32 $3.200000000e+01, v6;
	[tilespmem:s23+$0x400] =	vst v4  }
0x80: {  	v48 =	vld [tilespmem:s23+$0xCD0];
	v7 =	vmul.f32 $3.200000000e+01, v7;
	[tilespmem:s23+$0x410] =	vst v5  }
0x81: {  	v49 =	vld [tilespmem:s23+$0xCE0];
	v8 =	vmul.f32 $3.200000000e+01, v8;
	[tilespmem:s23+$0x420] =	vst v6  }
0x82: {  	v50 =	vld [tilespmem:s23+$0xCF0];
	v9 =	vmul.f32 $3.200000000e+01, v9;
	[tilespmem:s23+$0x430] =	vst v7  }
0x83: {  	v10 =	vld [tilespmem:s23+$0x1CF0];
	v11 =	vmul.f32 $3.200000000e+01, v11;
	[tilespmem:s23+$0x440] =	vst v8  }
0x84: {  	v51 =	vld [tilespmem:s23+$0x1450];
	v12 =	vmul.f32 $3.200000000e+01, v47;
	[tilespmem:s23+$0x450] =	vst v9  }
0x85: {  	v52 =	vld [tilespmem:s23+$0x1460];
	v13 =	vmul.f32 $3.200000000e+01, v48;
	[tilespmem:s23+$0x820] =	vst v11  }
0x86: {  	v53 =	vld [tilespmem:s23+$0x1470];
	v14 =	vmul.f32 $3.200000000e+01, v49;
	[tilespmem:s23+$0xCC0] =	vst v12  }
0x87: {  	v54 =	vld [tilespmem:s23+$0x1800];
	v15 =	vmul.f32 $3.200000000e+01, v50;
	[tilespmem:s23+$0xCD0] =	vst v13  }
0x88: {  	v55 =	vld [tilespmem:s23+$0x1490];
	v4 =	vmul.f32 $3.200000000e+01, v10;
	[tilespmem:s23+$0xCE0] =	vst v14  }
0x89: {  	v56 =	vld [tilespmem:s23+$0x14A0];
	[tilespmem:s23+$0xCF0] =	vst v15;
	v12 =	vmul.f32 $3.200000000e+01, v51  }
0x8a: {  	v5 =	vld [tilespmem:s23+$0x80];
	v13 =	vmul.f32 $3.200000000e+01, v52;
	[tilespmem:s23+$0x1CF0] =	vst v4  }
0x8b: {  	v3 =	vld [tilespmem:s23+$0x460];
	v14 =	vmul.f32 $3.200000000e+01, v53;
	[tilespmem:s23+$0x1450] =	vst v12  }
0x8c: {  	v10 =	vld [tilespmem:s23+$0x470];
	v15 =	vmul.f32 $3.200000000e+01, v54;
	[tilespmem:s23+$0x1460] =	vst v13  }
0x8d: {  	v6 =	vld [tilespmem:s23+$0xE0];
	[tilespmem:s23+$0x1470] =	vst v14;
	v12 =	vmul.f32 $3.200000000e+01, v55  }
0x8e: {  	v7 =	vld [tilespmem:s23+$0xF0];
	[tilespmem:s23+$0x1800] =	vst v15;
	v13 =	vmul.f32 $3.200000000e+01, v56  }
0x8f: {  	v8 =	vld [tilespmem:s23+$0x480];
	v5 =	vmul.f32 $3.200000000e+01, v5;
	[tilespmem:s23+$0x1490] =	vst v12  }
0x90: {  	v9 =	vld [tilespmem:s23+$0x490];
	v3 =	vmul.f32 $3.200000000e+01, v3;
	[tilespmem:s23+$0x14A0] =	vst v13  }
0x91: {  	v11 =	vld [tilespmem:s23+$0x4E0];
	v10 =	vmul.f32 $3.200000000e+01, v10;
	[tilespmem:s23+$0x80] =	vst v5  }
0x92: {  	v57 =	vld [tilespmem:s23+$0x14B0];
	v6 =	vmul.f32 $3.200000000e+01, v6;
	[tilespmem:s23+$0x460] =	vst v3  }
0x93: {  	v58 =	vld [tilespmem:s23+$0x14C0];
	v7 =	vmul.f32 $3.200000000e+01, v7;
	[tilespmem:s23+$0x470] =	vst v10  }
0x94: {  	v4 =	vld [tilespmem:s23+$0x800];
	v8 =	vmul.f32 $3.200000000e+01, v8;
	[tilespmem:s23+$0xE0] =	vst v6  }
0x95: {  	v9 =	vmul.f32 $3.200000000e+01, v9;
	v5 =	vld [tilespmem:s23+$0x810];
	[tilespmem:s23+$0xF0] =	vst v7  }
0x96: {  	v11 =	vmul.f32 $3.200000000e+01, v11;
	v3 =	vld [tilespmem:s23+$0x4A0];
	[tilespmem:s23+$0x480] =	vst v8  }
0x97: {  	v14 =	vmul.f32 $3.200000000e+01, v57;
	v10 =	vld [tilespmem:s23+$0x4B0];
	[tilespmem:s23+$0x490] =	vst v9  }
0x98: {  	v15 =	vmul.f32 $3.200000000e+01, v58;
	v6 =	vld [tilespmem:s23+$0x870];
	[tilespmem:s23+$0x4E0] =	vst v11  }
0x99: {  	v4 =	vmul.f32 $3.200000000e+01, v4;
	v7 =	vld [tilespmem:s23+$0xC00];
	[tilespmem:s23+$0x14B0] =	vst v14  }
0x9a: {  	v8 =	vld [tilespmem:s23+$0xC10];
	[tilespmem:s23+$0x14C0] =	vst v15;
	v5 =	vmul.f32 $3.200000000e+01, v5  }
0x9b: {  	v9 =	vld [tilespmem:s23+$0xC20];
	[tilespmem:s23+$0x800] =	vst v4;
	v3 =	vmul.f32 $3.200000000e+01, v3  }
0x9c: {  	v11 =	vld [tilespmem:s23+$0xC70];
	v10 =	vmul.f32 $3.200000000e+01, v10;
	[tilespmem:s23+$0x810] =	vst v5  }
0x9d: {  	v4 =	vld [tilespmem:s23+$0x4C0];
	v6 =	vmul.f32 $3.200000000e+01, v6;
	[tilespmem:s23+$0x4A0] =	vst v3  }
0x9e: {  	v7 =	vmul.f32 $3.200000000e+01, v7;
	v5 =	vld [tilespmem:s23+$0x4D0];
	[tilespmem:s23+$0x4B0] =	vst v10  }
0x9f: {  	v8 =	vmul.f32 $3.200000000e+01, v8;
	v3 =	vld [tilespmem:s23+$0xC30];
	[tilespmem:s23+$0x870] =	vst v6  }
0xa0: {  	v9 =	vmul.f32 $3.200000000e+01, v9;
	v10 =	vld [tilespmem:s23+$0xC40];
	[tilespmem:s23+$0xC00] =	vst v7  }
0xa1: {  	v11 =	vmul.f32 $3.200000000e+01, v11;
	v6 =	vld [tilespmem:s23+$0x8B0];
	[tilespmem:s23+$0xC10] =	vst v8  }
0xa2: {  	v4 =	vmul.f32 $3.200000000e+01, v4;
	v7 =	vld [tilespmem:s23+$0x8C0];
	[tilespmem:s23+$0xC20] =	vst v9  }
0xa3: {  	v8 =	vld [tilespmem:s23+$0x8D0];
	[tilespmem:s23+$0xC70] =	vst v11;
	v5 =	vmul.f32 $3.200000000e+01, v5  }
0xa4: {  	v9 =	vld [tilespmem:s23+$0x8E0];
	[tilespmem:s23+$0x4C0] =	vst v4;
	v3 =	vmul.f32 $3.200000000e+01, v3  }
0xa5: {  	v11 =	vld [tilespmem:s23+$0xCB0];
	v10 =	vmul.f32 $3.200000000e+01, v10;
	[tilespmem:s23+$0x4D0] =	vst v5  }
0xa6: {  	v4 =	vld [tilespmem:s23+$0xC50];
	v6 =	vmul.f32 $3.200000000e+01, v6;
	[tilespmem:s23+$0xC30] =	vst v3  }
0xa7: {  	v7 =	vmul.f32 $3.200000000e+01, v7;
	v5 =	vld [tilespmem:s23+$0xC60];
	[tilespmem:s23+$0xC40] =	vst v10  }
0xa8: {  	v8 =	vmul.f32 $3.200000000e+01, v8;
	v3 =	vld [tilespmem:s23+$0x8F0];
	[tilespmem:s23+$0x8B0] =	vst v6  }
0xa9: {  	v9 =	vmul.f32 $3.200000000e+01, v9;
	v10 =	vld [tilespmem:s23+$0xC80];
	[tilespmem:s23+$0x8C0] =	vst v7  }
0xaa: {  	v11 =	vmul.f32 $3.200000000e+01, v11;
	v6 =	vld [tilespmem:s23+$0x1040];
	[tilespmem:s23+$0x8D0] =	vst v8  }
0xab: {  	v4 =	vmul.f32 $3.200000000e+01, v4;
	v7 =	vld [tilespmem:s23+$0x1050];
	[tilespmem:s23+$0x8E0] =	vst v9  }
0xac: {  	v8 =	vld [tilespmem:s23+$0x1060];
	[tilespmem:s23+$0xCB0] =	vst v11;
	v5 =	vmul.f32 $3.200000000e+01, v5  }
0xad: {  	v9 =	vld [tilespmem:s23+$0x1070];
	[tilespmem:s23+$0xC50] =	vst v4;
	v3 =	vmul.f32 $3.200000000e+01, v3  }
0xae: {  	v11 =	vld [tilespmem:s23+$0x1440];
	v10 =	vmul.f32 $3.200000000e+01, v10;
	[tilespmem:s23+$0xC60] =	vst v5  }
0xaf: {  	v4 =	vld [tilespmem:s23+$0xC90];
	v6 =	vmul.f32 $3.200000000e+01, v6;
	[tilespmem:s23+$0x8F0] =	vst v3  }
0xb0: {  	v7 =	vmul.f32 $3.200000000e+01, v7;
	v5 =	vld [tilespmem:s23+$0xCA0];
	[tilespmem:s23+$0xC80] =	vst v10  }
0xb1: {  	v8 =	vmul.f32 $3.200000000e+01, v8;
	v3 =	vld [tilespmem:s23+$0x1400];
	[tilespmem:s23+$0x1040] =	vst v6  }
0xb2: {  	v9 =	vmul.f32 $3.200000000e+01, v9;
	v10 =	vld [tilespmem:s23+$0x1410];
	[tilespmem:s23+$0x1050] =	vst v7  }
0xb3: {  	v11 =	vmul.f32 $3.200000000e+01, v11;
	v6 =	vld [tilespmem:s23+$0x1080];
	[tilespmem:s23+$0x1060] =	vst v8  }
0xb4: {  	v4 =	vmul.f32 $3.200000000e+01, v4;
	v7 =	vld [tilespmem:s23+$0x1090];
	[tilespmem:s23+$0x1070] =	vst v9  }
0xb5: {  	v8 =	vld [tilespmem:s23+$0x10A0];
	[tilespmem:s23+$0x1440] =	vst v11;
	v5 =	vmul.f32 $3.200000000e+01, v5  }
0xb6: {  	[tilespmem:s23+$0xC90] =	vst v4;
	v4 =	vld [tilespmem:s23+$0x1420];
	v3 =	vmul.f32 $3.200000000e+01, v3  }
0xb7: {  	v9 =	vld [tilespmem:s23+$0x10B0];
	v10 =	vmul.f32 $3.200000000e+01, v10;
	[tilespmem:s23+$0xCA0] =	vst v5  }
0xb8: {  	v11 =	vld [tilespmem:s23+$0x1480];
	v6 =	vmul.f32 $3.200000000e+01, v6;
	[tilespmem:s23+$0x1400] =	vst v3  }
0xb9: {  	v7 =	vmul.f32 $3.200000000e+01, v7;
	v5 =	vld [tilespmem:s23+$0x1430];
	[tilespmem:s23+$0x1410] =	vst v10  }
0xba: {  	v8 =	vmul.f32 $3.200000000e+01, v8;
	v3 =	vld [tilespmem:s23+$0x10C0];
	[tilespmem:s23+$0x1080] =	vst v6  }
0xbb: {  	v4 =	vmul.f32 $3.200000000e+01, v4;
	v10 =	vld [tilespmem:s23+$0x10D0];
	[tilespmem:s23+$0x1090] =	vst v7  }
0xbc: {  	v9 =	vmul.f32 $3.200000000e+01, v9;
	v6 =	vld [tilespmem:s23+$0x1810];
	[tilespmem:s23+$0x10A0] =	vst v8  }
0xbd: {  	v11 =	vmul.f32 $3.200000000e+01, v11;
	[tilespmem:s23+$0x1420] =	vst v4;
	v4 =	vld [tilespmem:s23+$0x10E0]  }
0xbe: {  	v7 =	vld [tilespmem:s23+$0x1820];
	[tilespmem:s23+$0x10B0] =	vst v9;
	v5 =	vmul.f32 $3.200000000e+01, v5  }
0xbf: {  	v8 =	vld [tilespmem:s23+$0x1830];
	[tilespmem:s23+$0x1480] =	vst v11;
	v3 =	vmul.f32 $3.200000000e+01, v3  }
0xc0: {  	v9 =	vld [tilespmem:s23+$0x1840];
	v10 =	vmul.f32 $3.200000000e+01, v10;
	[tilespmem:s23+$0x1430] =	vst v5  }
0xc1: {  	v6 =	vmul.f32 $3.200000000e+01, v6;
	v5 =	vld [tilespmem:s23+$0x10F0];
	[tilespmem:s23+$0x10C0] =	vst v3  }
0xc2: {  	v3 =	vld [tilespmem:s23+$0x1850];
	[tilespmem:s23+$0x10D0] =	vst v10;
	v4 =	vmul.f32 $3.200000000e+01, v4  }
0xc3: {  	v7 =	vmul.f32 $3.200000000e+01, v7;
	v10 =	vld [tilespmem:s23+$0x1860];
	[tilespmem:s23+$0x1810] =	vst v6  }
0xc4: {  	v8 =	vmul.f32 $3.200000000e+01, v8;
	[tilespmem:s23+$0x10E0] =	vst v4;
	v4 =	vld [tilespmem:s23+$0x1870]  }
0xc5: {  	v9 =	vmul.f32 $3.200000000e+01, v9;
	v6 =	vld [tilespmem:s23+$0x14D0];
	[tilespmem:s23+$0x1820] =	vst v7  }
0xc6: {  	v7 =	vld [tilespmem:s23+$0x14E0];
	[tilespmem:s23+$0x1830] =	vst v8;
	v5 =	vmul.f32 $3.200000000e+01, v5  }
0xc7: {  	v11 =	vld [tilespmem:s23+$0x1C10];
	[tilespmem:s23+$0x1840] =	vst v9;
	v3 =	vmul.f32 $3.200000000e+01, v3  }
0xc8: {  	v8 =	vld [tilespmem:s23+$0x14F0];
	v10 =	vmul.f32 $3.200000000e+01, v10;
	[tilespmem:s23+$0x10F0] =	vst v5  }
0xc9: {  	v60 =	vld [tilespmem:s23+$0x1C30];
	[tilespmem:s23+$0x1850] =	vst v3;
	v4 =	vmul.f32 $3.200000000e+01, v4  }
0xca: {  	v6 =	vmul.f32 $3.200000000e+01, v6;
	v5 =	vld [tilespmem:s23+$0x1C00];
	[tilespmem:s23+$0x1860] =	vst v10  }
0xcb: {  	v3 =	vld [tilespmem:s23+$0x1890];
	[tilespmem:s23+$0x1870] =	vst v4;
	v4 =	vmul.f32 $3.200000000e+01, v7  }
0xcc: {  	[tilespmem:s23+$0x14D0] =	vst v6;
	v6 =	vld [tilespmem:s23+$0x1C60];
	v7 =	vmul.f32 $3.200000000e+01, v11  }
0xcd: {  	v9 =	vld [tilespmem:s23+$0x1880];
	[tilespmem:s23+$0x14E0] =	vst v4;
	v4 =	vmul.f32 $3.200000000e+01, v8  }
0xce: {  	v10 =	vld [tilespmem:s23+$0x18A0];
	[tilespmem:s23+$0x1C10] =	vst v7;
	v8 =	vmul.f32 $3.200000000e+01, v60  }
0xcf: {  	v62 =	vld [tilespmem:s23+$0x1C50];
	v5 =	vmul.f32 $3.200000000e+01, v5;
	[tilespmem:s23+$0x14F0] =	vst v4  }
0xd0: {  	v59 =	vld [tilespmem:s23+$0x1C20];
	v3 =	vmul.f32 $3.200000000e+01, v3;
	[tilespmem:s23+$0x1C30] =	vst v8  }
0xd1: {  	v16 =	vld [tilespmem:s23+$0x18B0];
	v6 =	vmul.f32 $3.200000000e+01, v6;
	[tilespmem:s23+$0x1C00] =	vst v5  }
0xd2: {  	v61 =	vld [tilespmem:s23+$0x1C40];
	v4 =	vmul.f32 $3.200000000e+01, v9;
	[tilespmem:s23+$0x1890] =	vst v3  }
0xd3: {  	v17 =	vld [tilespmem:s23+$0x1C70];
	v8 =	vmul.f32 $3.200000000e+01, v10;
	[tilespmem:s23+$0x1C60] =	vst v6  }
0xd4: {  	v11 =	vld [tilespmem:s23+$0x18C0];
	v9 =	vmul.f32 $3.200000000e+01, v62;
	[tilespmem:s23+$0x1880] =	vst v4  }
0xd5: {  	v7 =	vld [tilespmem:s23+$0x18D0];
	v5 =	vmul.f32 $3.200000000e+01, v59;
	[tilespmem:s23+$0x18A0] =	vst v8  }
0xd6: {  	v63 =	vld [tilespmem:s23+$0x18E0];
	v8 =	vmul.f32 $3.200000000e+01, v16;
	[tilespmem:s23+$0x1C50] =	vst v9  }
0xd7: {  	v4 =	vld [tilespmem:s23+$0x18F0];
	[tilespmem:s23+$0x1C20] =	vst v5;
	v5 =	vmul.f32 $3.200000000e+01, v61  }
0xd8: {  	v3 =	vld [tilespmem:s23+$0x1C80];
	v9 =	vmul.f32 $3.200000000e+01, v17;
	[tilespmem:s23+$0x18B0] =	vst v8  }
0xd9: {  	v8 =	vmul.f32 $3.200000000e+01, v11;
	[tilespmem:s23+$0x1C40] =	vst v5;
	v5 =	vld [tilespmem:s23+$0x1C90]  }
0xda: {  	v6 =	vld [tilespmem:s23+$0x1CA0];
	[tilespmem:s23+$0x1C70] =	vst v9;
	v9 =	vmul.f32 $3.200000000e+01, v7  }
0xdb: {  	s25 =	simm.s32 $0x0;
	s26 =	simm.s32 $0x800;
	v7 =	vld [tilespmem:s23+$0x1CB0];
	[tilespmem:s23+$0x18C0] =	vst v8;
	v8 =	vmul.f32 $3.200000000e+01, v63  }
.LBB2_3:
0xdc: {  	s28 =	sand.u32 $0x2000, s26;
	s25 =	sadd.s32 $0x2, s25;
	[tilespmem:s23+$0x18D0] =	vst v9;
	v4 =	vmul.f32 $3.200000000e+01, v4;
	v9 =	vld [tilespmem:s23+$0x1CC0];
	s24 =	sadd.s32 $0x100, s24  }
0xdd: {  	s29 =	sand.u32 $0x300, s24;
	s28 =	sadd.s32 s28, s22;
	p0 =	slt.u32 s25, $0xE;
	[tilespmem:s23+$0x18E0] =	vst v8;
	v3 =	vmul.f32 $3.200000000e+01, v3;
	v8 =	vld [tilespmem:s23+$0x1CD0]  }
0xde: {  	s28 =	sadd.s32 s29, s28;
	[tilespmem:s23+$0x18F0] =	vst v4;
	v4 =	vmul.f32 $3.200000000e+01, v5;
	v5 =	vld [tilespmem:s23+$0x1CE0]  }
0xdf: {  	v10 =	vld [tilespmem:s28+$0x1CF0];
	[tilespmem:s23+$0x1C80] =	vst v3;
	v3 =	vmul.f32 $3.200000000e+01, v6  }
0xe0: {  	v6 =	vld [tilespmem:s28+$0x0];
	[tilespmem:s23+$0x1C90] =	vst v4;
	v4 =	vmul.f32 $3.200000000e+01, v7  }
0xe1: {  	v7 =	vld [tilespmem:s28+$0x10];
	[tilespmem:s23+$0x1CA0] =	vst v3;
	v3 =	vmul.f32 $3.200000000e+01, v9  }
0xe2: {  	v9 =	vld [tilespmem:s28+$0x20];
	[tilespmem:s23+$0x1CB0] =	vst v4;
	v4 =	vmul.f32 $3.200000000e+01, v8  }
0xe3: {  	v8 =	vld [tilespmem:s28+$0x30];
	[tilespmem:s23+$0x1CC0] =	vst v3;
	v3 =	vmul.f32 $3.200000000e+01, v5  }
0xe4: {  	v5 =	vld [tilespmem:s28+$0x40];
	v10 =	vmul.f32 $3.200000000e+01, v10;
	[tilespmem:s23+$0x1CD0] =	vst v4  }
0xe5: {  	v4 =	vmul.f32 $3.200000000e+01, v6;
	v6 =	vld [tilespmem:s28+$0x50];
	[tilespmem:s23+$0x1CE0] =	vst v3;
	s23 =	smov.u32 s28  }
0xe6: {  	v3 =	vmul.f32 $3.200000000e+01, v7;
	v7 =	vld [tilespmem:s23+$0x60];
	[tilespmem:s23+$0x1CF0] =	vst v10  }
0xe7: {  	[tilespmem:s23+$0x0] =	vst v4;
	v4 =	vmul.f32 $3.200000000e+01, v9;
	v9 =	vld [tilespmem:s23+$0x70]  }
0xe8: {  	[tilespmem:s23+$0x10] =	vst v3;
	v3 =	vmul.f32 $3.200000000e+01, v8;
	v8 =	vld [tilespmem:s23+$0x400]  }
0xe9: {  	[tilespmem:s23+$0x20] =	vst v4;
	v4 =	vmul.f32 $3.200000000e+01, v5;
	v5 =	vld [tilespmem:s23+$0x410]  }
0xea: {  	[tilespmem:s23+$0x30] =	vst v3;
	v3 =	vmul.f32 $3.200000000e+01, v6;
	v6 =	vld [tilespmem:s23+$0x420]  }
0xeb: {  	[tilespmem:s23+$0x40] =	vst v4;
	v4 =	vmul.f32 $3.200000000e+01, v7;
	v7 =	vld [tilespmem:s23+$0x430]  }
0xec: {  	[tilespmem:s23+$0x50] =	vst v3;
	v3 =	vmul.f32 $3.200000000e+01, v9;
	v9 =	vld [tilespmem:s23+$0x440]  }
0xed: {  	[tilespmem:s23+$0x60] =	vst v4;
	v4 =	vmul.f32 $3.200000000e+01, v8;
	v8 =	vld [tilespmem:s23+$0x450]  }
0xee: {  	[tilespmem:s23+$0x70] =	vst v3;
	v3 =	vmul.f32 $3.200000000e+01, v5;
	v5 =	vld [tilespmem:s23+$0x460]  }
0xef: {  	[tilespmem:s23+$0x400] =	vst v4;
	v4 =	vmul.f32 $3.200000000e+01, v6;
	v6 =	vld [tilespmem:s23+$0x470]  }
0xf0: {  	[tilespmem:s23+$0x410] =	vst v3;
	v3 =	vmul.f32 $3.200000000e+01, v7;
	v7 =	vld [tilespmem:s23+$0x800]  }
0xf1: {  	[tilespmem:s23+$0x420] =	vst v4;
	v4 =	vmul.f32 $3.200000000e+01, v9;
	v9 =	vld [tilespmem:s23+$0x810]  }
0xf2: {  	[tilespmem:s23+$0x430] =	vst v3;
	v3 =	vmul.f32 $3.200000000e+01, v8;
	v8 =	vld [tilespmem:s23+$0x820]  }
0xf3: {  	[tilespmem:s23+$0x440] =	vst v4;
	v4 =	vmul.f32 $3.200000000e+01, v5;
	v5 =	vld [tilespmem:s23+$0x830]  }
0xf4: {  	[tilespmem:s23+$0x450] =	vst v3;
	v3 =	vmul.f32 $3.200000000e+01, v6;
	v6 =	vld [tilespmem:s23+$0x840]  }
0xf5: {  	[tilespmem:s23+$0x460] =	vst v4;
	v4 =	vmul.f32 $3.200000000e+01, v7;
	v7 =	vld [tilespmem:s23+$0x850]  }
0xf6: {  	[tilespmem:s23+$0x470] =	vst v3;
	v3 =	vmul.f32 $3.200000000e+01, v9;
	v9 =	vld [tilespmem:s23+$0x860]  }
0xf7: {  	[tilespmem:s23+$0x800] =	vst v4;
	v4 =	vmul.f32 $3.200000000e+01, v8;
	v8 =	vld [tilespmem:s23+$0x870]  }
0xf8: {  	[tilespmem:s23+$0x810] =	vst v3;
	v3 =	vmul.f32 $3.200000000e+01, v5;
	v5 =	vld [tilespmem:s23+$0xC00]  }
0xf9: {  	[tilespmem:s23+$0x820] =	vst v4;
	v4 =	vmul.f32 $3.200000000e+01, v6;
	v6 =	vld [tilespmem:s23+$0xC10]  }
0xfa: {  	[tilespmem:s23+$0x830] =	vst v3;
	v3 =	vmul.f32 $3.200000000e+01, v7;
	v7 =	vld [tilespmem:s23+$0xC20]  }
0xfb: {  	[tilespmem:s23+$0x840] =	vst v4;
	v4 =	vmul.f32 $3.200000000e+01, v9;
	v9 =	vld [tilespmem:s23+$0xC30]  }
0xfc: {  	[tilespmem:s23+$0x850] =	vst v3;
	v3 =	vmul.f32 $3.200000000e+01, v8;
	v8 =	vld [tilespmem:s23+$0xC40]  }
0xfd: {  	[tilespmem:s23+$0x860] =	vst v4;
	v4 =	vmul.f32 $3.200000000e+01, v5;
	v5 =	vld [tilespmem:s23+$0xC50]  }
0xfe: {  	[tilespmem:s23+$0x870] =	vst v3;
	v3 =	vmul.f32 $3.200000000e+01, v6;
	v6 =	vld [tilespmem:s23+$0xC60]  }
0xff: {  	[tilespmem:s23+$0xC00] =	vst v4;
	v4 =	vmul.f32 $3.200000000e+01, v7;
	v7 =	vld [tilespmem:s23+$0xC70]  }
0x100: {  	[tilespmem:s23+$0xC10] =	vst v3;
	v3 =	vmul.f32 $3.200000000e+01, v9;
	v9 =	vld [tilespmem:s23+$0x1000]  }
0x101: {  	[tilespmem:s23+$0xC20] =	vst v4;
	v4 =	vmul.f32 $3.200000000e+01, v8;
	v8 =	vld [tilespmem:s23+$0x1010]  }
0x102: {  	[tilespmem:s23+$0xC30] =	vst v3;
	v3 =	vmul.f32 $3.200000000e+01, v5;
	v5 =	vld [tilespmem:s23+$0x1020]  }
0x103: {  	[tilespmem:s23+$0xC40] =	vst v4;
	v4 =	vmul.f32 $3.200000000e+01, v6;
	v6 =	vld [tilespmem:s23+$0x1030]  }
0x104: {  	[tilespmem:s23+$0xC50] =	vst v3;
	v3 =	vmul.f32 $3.200000000e+01, v7;
	v7 =	vld [tilespmem:s23+$0x1040]  }
0x105: {  	[tilespmem:s23+$0xC60] =	vst v4;
	v4 =	vmul.f32 $3.200000000e+01, v9;
	v9 =	vld [tilespmem:s23+$0x1050]  }
0x106: {  	[tilespmem:s23+$0xC70] =	vst v3;
	v3 =	vmul.f32 $3.200000000e+01, v8;
	v8 =	vld [tilespmem:s23+$0x1060]  }
0x107: {  	[tilespmem:s23+$0x1000] =	vst v4;
	v4 =	vmul.f32 $3.200000000e+01, v5;
	v5 =	vld [tilespmem:s23+$0x1070]  }
0x108: {  	[tilespmem:s23+$0x1010] =	vst v3;
	v3 =	vmul.f32 $3.200000000e+01, v6;
	v6 =	vld [tilespmem:s23+$0x1400]  }
0x109: {  	[tilespmem:s23+$0x1020] =	vst v4;
	v4 =	vmul.f32 $3.200000000e+01, v7;
	v7 =	vld [tilespmem:s23+$0x1410]  }
0x10a: {  	[tilespmem:s23+$0x1030] =	vst v3;
	v3 =	vmul.f32 $3.200000000e+01, v9;
	v9 =	vld [tilespmem:s23+$0x1420]  }
0x10b: {  	[tilespmem:s23+$0x1040] =	vst v4;
	v4 =	vmul.f32 $3.200000000e+01, v8;
	v8 =	vld [tilespmem:s23+$0x1430]  }
0x10c: {  	[tilespmem:s23+$0x1050] =	vst v3;
	v3 =	vmul.f32 $3.200000000e+01, v5;
	v5 =	vld [tilespmem:s23+$0x1440]  }
0x10d: {  	[tilespmem:s23+$0x1060] =	vst v4;
	v4 =	vmul.f32 $3.200000000e+01, v6;
	v6 =	vld [tilespmem:s23+$0x1450]  }
0x10e: {  	[tilespmem:s23+$0x1070] =	vst v3;
	v3 =	vmul.f32 $3.200000000e+01, v7;
	v7 =	vld [tilespmem:s23+$0x1460]  }
0x10f: {  	[tilespmem:s23+$0x1400] =	vst v4;
	v4 =	vmul.f32 $3.200000000e+01, v9;
	v9 =	vld [tilespmem:s23+$0x1470]  }
0x110: {  	[tilespmem:s23+$0x1410] =	vst v3;
	v3 =	vmul.f32 $3.200000000e+01, v8;
	v8 =	vld [tilespmem:s23+$0x1800]  }
0x111: {  	[tilespmem:s23+$0x1420] =	vst v4;
	v4 =	vmul.f32 $3.200000000e+01, v5;
	v5 =	vld [tilespmem:s23+$0x1810]  }
0x112: {  	[tilespmem:s23+$0x1430] =	vst v3;
	v3 =	vmul.f32 $3.200000000e+01, v6;
	v6 =	vld [tilespmem:s23+$0x1820]  }
0x113: {  	[tilespmem:s23+$0x1440] =	vst v4;
	v4 =	vmul.f32 $3.200000000e+01, v7;
	v7 =	vld [tilespmem:s23+$0x1830]  }
0x114: {  	[tilespmem:s23+$0x1450] =	vst v3;
	v3 =	vmul.f32 $3.200000000e+01, v9;
	v9 =	vld [tilespmem:s23+$0x1840]  }
0x115: {  	[tilespmem:s23+$0x1460] =	vst v4;
	v4 =	vmul.f32 $3.200000000e+01, v8;
	v8 =	vld [tilespmem:s23+$0x1850]  }
0x116: {  	[tilespmem:s23+$0x1470] =	vst v3;
	v3 =	vmul.f32 $3.200000000e+01, v5;
	v5 =	vld [tilespmem:s23+$0x1860]  }
0x117: {  	[tilespmem:s23+$0x1800] =	vst v4;
	v4 =	vmul.f32 $3.200000000e+01, v6;
	v6 =	vld [tilespmem:s23+$0x1870]  }
0x118: {  	[tilespmem:s23+$0x1810] =	vst v3;
	v3 =	vmul.f32 $3.200000000e+01, v7;
	v7 =	vld [tilespmem:s23+$0x1C00]  }
0x119: {  	[tilespmem:s23+$0x1820] =	vst v4;
	v4 =	vmul.f32 $3.200000000e+01, v9;
	v9 =	vld [tilespmem:s23+$0x1C10]  }
0x11a: {  	[tilespmem:s23+$0x1830] =	vst v3;
	v3 =	vmul.f32 $3.200000000e+01, v8;
	v8 =	vld [tilespmem:s23+$0x1C20]  }
0x11b: {  	[tilespmem:s23+$0x1840] =	vst v4;
	v4 =	vmul.f32 $3.200000000e+01, v5;
	v5 =	vld [tilespmem:s23+$0x1C30]  }
0x11c: {  	[tilespmem:s23+$0x1850] =	vst v3;
	v3 =	vmul.f32 $3.200000000e+01, v6;
	v6 =	vld [tilespmem:s23+$0x1C40]  }
0x11d: {  	[tilespmem:s23+$0x1860] =	vst v4;
	v4 =	vmul.f32 $3.200000000e+01, v7;
	v7 =	vld [tilespmem:s23+$0x1C50]  }
0x11e: {  	[tilespmem:s23+$0x1870] =	vst v3;
	v3 =	vmul.f32 $3.200000000e+01, v9;
	v9 =	vld [tilespmem:s23+$0x1C60]  }
0x11f: {  	[tilespmem:s23+$0x1C00] =	vst v4;
	v4 =	vmul.f32 $3.200000000e+01, v8;
	v8 =	vld [tilespmem:s23+$0x1C70]  }
0x120: {  	[tilespmem:s23+$0x1C10] =	vst v3;
	v3 =	vmul.f32 $3.200000000e+01, v5;
	v5 =	vld [tilespmem:s23+$0x80]  }
0x121: {  	[tilespmem:s23+$0x1C20] =	vst v4;
	v4 =	vmul.f32 $3.200000000e+01, v6;
	v6 =	vld [tilespmem:s23+$0x90]  }
0x122: {  	[tilespmem:s23+$0x1C30] =	vst v3;
	v3 =	vmul.f32 $3.200000000e+01, v7;
	v7 =	vld [tilespmem:s23+$0xA0]  }
0x123: {  	[tilespmem:s23+$0x1C40] =	vst v4;
	v4 =	vmul.f32 $3.200000000e+01, v9;
	v9 =	vld [tilespmem:s23+$0xB0]  }
0x124: {  	[tilespmem:s23+$0x1C50] =	vst v3;
	v3 =	vmul.f32 $3.200000000e+01, v8;
	v8 =	vld [tilespmem:s23+$0xC0]  }
0x125: {  	[tilespmem:s23+$0x1C60] =	vst v4;
	v4 =	vmul.f32 $3.200000000e+01, v5;
	v5 =	vld [tilespmem:s23+$0xD0]  }
0x126: {  	[tilespmem:s23+$0x1C70] =	vst v3;
	v3 =	vmul.f32 $3.200000000e+01, v6;
	v6 =	vld [tilespmem:s23+$0xE0]  }
0x127: {  	[tilespmem:s23+$0x80] =	vst v4;
	v4 =	vmul.f32 $3.200000000e+01, v7;
	v7 =	vld [tilespmem:s23+$0xF0]  }
0x128: {  	[tilespmem:s23+$0x90] =	vst v3;
	v3 =	vmul.f32 $3.200000000e+01, v9;
	v9 =	vld [tilespmem:s23+$0x480]  }
0x129: {  	[tilespmem:s23+$0xA0] =	vst v4;
	v4 =	vmul.f32 $3.200000000e+01, v8;
	v8 =	vld [tilespmem:s23+$0x490]  }
0x12a: {  	[tilespmem:s23+$0xB0] =	vst v3;
	v3 =	vmul.f32 $3.200000000e+01, v5;
	v5 =	vld [tilespmem:s23+$0x4A0]  }
0x12b: {  	[tilespmem:s23+$0xC0] =	vst v4;
	v4 =	vmul.f32 $3.200000000e+01, v6;
	v6 =	vld [tilespmem:s23+$0x4B0]  }
0x12c: {  	[tilespmem:s23+$0xD0] =	vst v3;
	v3 =	vmul.f32 $3.200000000e+01, v7;
	v7 =	vld [tilespmem:s23+$0x4C0]  }
0x12d: {  	[tilespmem:s23+$0xE0] =	vst v4;
	v4 =	vmul.f32 $3.200000000e+01, v9;
	v9 =	vld [tilespmem:s23+$0x4D0]  }
0x12e: {  	[tilespmem:s23+$0xF0] =	vst v3;
	v3 =	vmul.f32 $3.200000000e+01, v8;
	v8 =	vld [tilespmem:s23+$0x4E0]  }
0x12f: {  	[tilespmem:s23+$0x480] =	vst v4;
	v4 =	vmul.f32 $3.200000000e+01, v5;
	v5 =	vld [tilespmem:s23+$0x4F0]  }
0x130: {  	[tilespmem:s23+$0x490] =	vst v3;
	v3 =	vmul.f32 $3.200000000e+01, v6;
	v6 =	vld [tilespmem:s23+$0x880]  }
0x131: {  	[tilespmem:s23+$0x4A0] =	vst v4;
	v4 =	vmul.f32 $3.200000000e+01, v7;
	v7 =	vld [tilespmem:s23+$0x890]  }
0x132: {  	[tilespmem:s23+$0x4B0] =	vst v3;
	v3 =	vmul.f32 $3.200000000e+01, v9;
	v9 =	vld [tilespmem:s23+$0x8A0]  }
0x133: {  	[tilespmem:s23+$0x4C0] =	vst v4;
	v4 =	vmul.f32 $3.200000000e+01, v8;
	v8 =	vld [tilespmem:s23+$0x8B0]  }
0x134: {  	[tilespmem:s23+$0x4D0] =	vst v3;
	v3 =	vmul.f32 $3.200000000e+01, v5;
	v5 =	vld [tilespmem:s23+$0x8C0]  }
0x135: {  	[tilespmem:s23+$0x4E0] =	vst v4;
	v4 =	vmul.f32 $3.200000000e+01, v6;
	v6 =	vld [tilespmem:s23+$0x8D0]  }
0x136: {  	[tilespmem:s23+$0x4F0] =	vst v3;
	v3 =	vmul.f32 $3.200000000e+01, v7;
	v7 =	vld [tilespmem:s23+$0x8E0]  }
0x137: {  	[tilespmem:s23+$0x880] =	vst v4;
	v4 =	vmul.f32 $3.200000000e+01, v9;
	v9 =	vld [tilespmem:s23+$0x8F0]  }
0x138: {  	[tilespmem:s23+$0x890] =	vst v3;
	v3 =	vmul.f32 $3.200000000e+01, v8;
	v8 =	vld [tilespmem:s23+$0xC80]  }
0x139: {  	[tilespmem:s23+$0x8A0] =	vst v4;
	v4 =	vmul.f32 $3.200000000e+01, v5;
	v5 =	vld [tilespmem:s23+$0xC90]  }
0x13a: {  	[tilespmem:s23+$0x8B0] =	vst v3;
	v3 =	vmul.f32 $3.200000000e+01, v6;
	v6 =	vld [tilespmem:s23+$0xCA0]  }
0x13b: {  	[tilespmem:s23+$0x8C0] =	vst v4;
	v4 =	vmul.f32 $3.200000000e+01, v7;
	v7 =	vld [tilespmem:s23+$0xCB0]  }
0x13c: {  	[tilespmem:s23+$0x8D0] =	vst v3;
	v3 =	vmul.f32 $3.200000000e+01, v9;
	v9 =	vld [tilespmem:s23+$0xCC0]  }
0x13d: {  	[tilespmem:s23+$0x8E0] =	vst v4;
	v4 =	vmul.f32 $3.200000000e+01, v8;
	v8 =	vld [tilespmem:s23+$0xCD0]  }
0x13e: {  	[tilespmem:s23+$0x8F0] =	vst v3;
	v3 =	vmul.f32 $3.200000000e+01, v5;
	v5 =	vld [tilespmem:s23+$0xCE0]  }
0x13f: {  	[tilespmem:s23+$0xC80] =	vst v4;
	v4 =	vmul.f32 $3.200000000e+01, v6;
	v6 =	vld [tilespmem:s23+$0xCF0]  }
0x140: {  	[tilespmem:s23+$0xC90] =	vst v3;
	v3 =	vmul.f32 $3.200000000e+01, v7;
	v7 =	vld [tilespmem:s23+$0x1080]  }
0x141: {  	[tilespmem:s23+$0xCA0] =	vst v4;
	v4 =	vmul.f32 $3.200000000e+01, v9;
	v9 =	vld [tilespmem:s23+$0x1090]  }
0x142: {  	[tilespmem:s23+$0xCB0] =	vst v3;
	v3 =	vmul.f32 $3.200000000e+01, v8;
	v8 =	vld [tilespmem:s23+$0x10A0]  }
0x143: {  	[tilespmem:s23+$0xCC0] =	vst v4;
	v4 =	vmul.f32 $3.200000000e+01, v5;
	v5 =	vld [tilespmem:s23+$0x10B0]  }
0x144: {  	[tilespmem:s23+$0xCD0] =	vst v3;
	v3 =	vmul.f32 $3.200000000e+01, v6;
	v6 =	vld [tilespmem:s23+$0x10C0]  }
0x145: {  	[tilespmem:s23+$0xCE0] =	vst v4;
	v4 =	vmul.f32 $3.200000000e+01, v7;
	v7 =	vld [tilespmem:s23+$0x10D0]  }
0x146: {  	[tilespmem:s23+$0xCF0] =	vst v3;
	v3 =	vmul.f32 $3.200000000e+01, v9;
	v9 =	vld [tilespmem:s23+$0x10E0]  }
0x147: {  	[tilespmem:s23+$0x1080] =	vst v4;
	v4 =	vmul.f32 $3.200000000e+01, v8;
	v8 =	vld [tilespmem:s23+$0x10F0]  }
0x148: {  	[tilespmem:s23+$0x1090] =	vst v3;
	v3 =	vmul.f32 $3.200000000e+01, v5;
	v5 =	vld [tilespmem:s23+$0x1480]  }
0x149: {  	[tilespmem:s23+$0x10A0] =	vst v4;
	v4 =	vmul.f32 $3.200000000e+01, v6;
	v6 =	vld [tilespmem:s23+$0x1490]  }
0x14a: {  	[tilespmem:s23+$0x10B0] =	vst v3;
	v3 =	vmul.f32 $3.200000000e+01, v7;
	v7 =	vld [tilespmem:s23+$0x14A0]  }
0x14b: {  	[tilespmem:s23+$0x10C0] =	vst v4;
	v4 =	vmul.f32 $3.200000000e+01, v9;
	v9 =	vld [tilespmem:s23+$0x14B0]  }
0x14c: {  	[tilespmem:s23+$0x10D0] =	vst v3;
	v3 =	vmul.f32 $3.200000000e+01, v8;
	v8 =	vld [tilespmem:s23+$0x14C0]  }
0x14d: {  	[tilespmem:s23+$0x10E0] =	vst v4;
	v4 =	vmul.f32 $3.200000000e+01, v5;
	v5 =	vld [tilespmem:s23+$0x14D0]  }
0x14e: {  	[tilespmem:s23+$0x10F0] =	vst v3;
	v3 =	vmul.f32 $3.200000000e+01, v6;
	v6 =	vld [tilespmem:s23+$0x14E0]  }
0x14f: {  	[tilespmem:s23+$0x1480] =	vst v4;
	v4 =	vmul.f32 $3.200000000e+01, v7;
	v7 =	vld [tilespmem:s23+$0x14F0]  }
0x150: {  	[tilespmem:s23+$0x1490] =	vst v3;
	v3 =	vmul.f32 $3.200000000e+01, v9;
	v9 =	vld [tilespmem:s23+$0x1880]  }
0x151: {  	[tilespmem:s23+$0x14A0] =	vst v4;
	v4 =	vmul.f32 $3.200000000e+01, v8;
	v8 =	vld [tilespmem:s23+$0x1890]  }
0x152: {  	[tilespmem:s23+$0x14B0] =	vst v3;
	v3 =	vmul.f32 $3.200000000e+01, v5;
	v5 =	vld [tilespmem:s23+$0x18A0]  }
0x153: {  	[tilespmem:s23+$0x14C0] =	vst v4;
	v4 =	vmul.f32 $3.200000000e+01, v6;
	v6 =	vld [tilespmem:s23+$0x18B0]  }
0x154: {  	[tilespmem:s23+$0x14D0] =	vst v3;
	v3 =	vmul.f32 $3.200000000e+01, v7;
	v7 =	vld [tilespmem:s23+$0x18C0]  }
0x155: {  	[tilespmem:s23+$0x14E0] =	vst v4;
	v4 =	vmul.f32 $3.200000000e+01, v9;
	v9 =	vld [tilespmem:s23+$0x18D0]  }
0x156: {  	[tilespmem:s23+$0x14F0] =	vst v3;
	v3 =	vmul.f32 $3.200000000e+01, v8;
	v8 =	vld [tilespmem:s23+$0x18E0]  }
.Ltmp0:
0x157: {  	[tilespmem:s23+$0x1880] =	vst v4;
	v5 =	vmul.f32 $3.200000000e+01, v5;
	v4 =	vld [tilespmem:s23+$0x18F0];
	(pc) =	sbr.rel @p0 .LBB2_3-.Ltmp0, $4  }
0x158: {  	[tilespmem:s23+$0x1890] =	vst v3;
	v6 =	vmul.f32 $3.200000000e+01, v6;
	v3 =	vld [tilespmem:s23+$0x1C80]  }
0x159: {  	[tilespmem:s23+$0x18A0] =	vst v5;
	v7 =	vmul.f32 $3.200000000e+01, v7;
	v5 =	vld [tilespmem:s23+$0x1C90]  }
0x15a: {  	[tilespmem:s23+$0x18B0] =	vst v6;
	v9 =	vmul.f32 $3.200000000e+01, v9;
	v6 =	vld [tilespmem:s23+$0x1CA0]  }
0x15b: {  	s26 =	sadd.s32 $0x800, s26;
	[tilespmem:s23+$0x18C0] =	vst v7;
	v8 =	vmul.f32 $3.200000000e+01, v8;
	v7 =	vld [tilespmem:s23+$0x1CB0]  }
0x15c: {  	[tilespmem:s23+$0x18D0] =	vst v9;
	v58 =	vld [tilespmem:s23+$0x1CC0];
	v4 =	vmul.f32 $3.200000000e+01, v4  }
0x15d: {  	v59 =	vld [tilespmem:s23+$0x1CD0];
	[tilespmem:s23+$0x18E0] =	vst v8;
	v3 =	vmul.f32 $3.200000000e+01, v3  }
0x15e: {  	v61 =	vld [tilespmem:s23+$0x1CE0];
	p0 =	sgt.u32 s20, $0x1C;
	[tilespmem:s23+$0x18F0] =	vst v4;
	v60 =	vmul.f32 $3.200000000e+01, v5  }
0x15f: {  	p1 =	slt.u32 @!p0 s20, $0x3;
	[tilespmem:s23+$0x1C80] =	vst v3;
	v3 =	vmul.f32 $3.200000000e+01, v6  }
0x160: {  	s24 =	sadd.s32 $0x3, s20;
	p2 =	por p1, p0;
	[tilespmem:s23+$0x1C90] =	vst v60;
	v62 =	vmul.f32 $3.200000000e+01, v7  }
0x161: {  	s25 =	smul.u32 @!p2 $0xAB, s24;
	[tilespmem:s23+$0x1CA0] =	vst v3;
	v3 =	vmul.f32 $3.200000000e+01, v58  }
0x162: {  	v63 =	vmul.f32 $3.200000000e+01, v59;
	[tilespmem:s23+$0x1CB0] =	vst v62  }
0x163: {  	s25 =	sshrl.u32 @!p2 s25, $0xA;
	[tilespmem:s23+$0x1CC0] =	vst v3;
	v3 =	vmul.f32 $3.200000000e+01, v61  }
0x164: {  	s26 =	sshll.u32 s20, $0xB;
	s25 =	sand.u32 @!p2 $0x3F, s25;
	[tilespmem:s23+$0x1CD0] =	vst v63  }
0x165: {  	s21 =	sadd.s32 $0x7, s21;
	s29 =	sadd.s32 s26, s8;
	s25 =	smul.u32 @!p2 $0x6, s25;
	[tilespmem:s23+$0x1CE0] =	vst v3  }
0x166: {  	[hbm4b:s29+s3] =	stream.linear.scatter [tilespmem:s22], [sflag:s21], $0x4000, $0x38;
	[tilespmem:$0x19000] =	vst v63  }
0x167: {  	s21 =	ssub.s32 @!p2 s24, s25  }
0x168: {  	s21 =	sand.u32 @!p2 $0xFF, s21  }
0x169: {  	s22 =	sadd.s32 @!p2 $0x7, s21  }
0x16a: {  	_ =	swait.ge @!p2 [sflag:s22], $0x4000  }
0x16b: {  	s23 =	sshll.u32 @!p0 s24, $0x7;
	[sflag:s22] =	ssyncset.done @!p2 $0x0  }
0x16c: {  	[sflag:s22] =	ssyncadd.s32 @!p2 $0xFFFFC000;
	s22 =	sand.u32 @!p0 $0x3FFFFF80, s23  }
0x16d: {  	v3 =	vld @!p0 [tilespmem:s22+$0x0];
	_ =	sdelay $0x4  }
0x16e: {  	v4 =	vshll.u32 @!p0 v3, $0x3  }
0x16f: {  	v5 =	vlaneseq.u32 @!p0;
	v3 =	vand.u32 @!p0 $0x7, v3;
	v4 =	vand.u32 @!p0 $0xFFFFFFC0, v4  }
0x170: {  	v6 =	vshrl.u32 @!p0 v5, $0x3;
	v3 =	vor.u32 @!p0 v3, v4;
	v4 =	vand.u32 @!p0 $0x7, v5  }
0x171: {  	v6 =	vmul.u32 @!p0 $0x8, v6;
	v4 =	vperm.xlane @!p0 v3, v4;
	_ =	sdelay $0x1  }
0x172: {  	p1 =	por !p1, p0;
	v4 =	vadd.s32 @!p0 v6, v4  }
0x173: {  	s24 =	smov.u32 @p1 s21  }
0x174: {  	s21 =	sshll.u32 @!p0 s24, $0xE  }
0x175: {  	s21 =	sand.u32 @!p0 $0x3FFFC000, s21  }
0x176: {  	vm1 =	vmmov @!p0 $0xffff;
	s23 =	sadd.s32 @!p0 $0x1, s24;
	s24 =	simm.s32 @!p0 $0x0;
	s22 =	sor.u32 @!p0 $0x1000, s21  }
0x177: {  	v5 =	vor.u32 @!p0 $0x8, v5;
	[tilespmem:s22], [sflag:s23] =	stream.indirect_vreg.gather @!p0 [hbm4b:s2+s24], $0x80, v4, vm1, $0xb8;
	[tilespmem:$0x19000] =	vst v63  }
0x178: {  	v3 =	vperm.xlane @!p0 v3, v5;
	s22 =	sor.u32 @!p0 $0x1800, s21  }
0x179: {  	[tilespmem:s22], [sflag:s23] =	stream.indirect_vreg.gather @!p0 [hbm4b:s5+s24], $0x80, v4, vm1, $0xb8;
	[tilespmem:$0x19000] =	vst v63  }
0x17a: {  	v3 =	vadd.s32 @!p0 v6, v3;
	s22 =	sor.u32 @!p0 $0x2000, s21  }
0x17b: {  	[tilespmem:s22], [sflag:s23] =	stream.indirect_vreg.gather @!p0 [hbm4b:s6+s24], $0x80, v4, vm1, $0xb8;
	[tilespmem:$0x19000] =	vst v63  }
0x17c: {  	s22 =	sor.u32 @!p0 $0x2800, s21  }
0x17d: {  	[tilespmem:s22], [sflag:s23] =	stream.indirect_vreg.gather @!p0 [hbm4b:s7+s24], $0x80, v4, vm1, $0xb8;
	[tilespmem:$0x19000] =	vst v63  }
0x17e: {  	s22 =	sor.u32 @!p0 $0x3000, s21  }
0x17f: {  	[tilespmem:s22], [sflag:s23] =	stream.indirect_vreg.gather @!p0 [hbm4b:s2+s24], $0x80, v3, vm1, $0xb8;
	[tilespmem:$0x19000] =	vst v63  }
0x180: {  	s22 =	sor.u32 @!p0 $0x3800, s21  }
0x181: {  	[tilespmem:s22], [sflag:s23] =	stream.indirect_vreg.gather @!p0 [hbm4b:s5+s24], $0x80, v3, vm1, $0xb8;
	[tilespmem:$0x19000] =	vst v63  }
0x182: {  	s22 =	sadd.s32 @!p0 $0x4000, s21  }
0x183: {  	[tilespmem:s22], [sflag:s23] =	stream.indirect_vreg.gather @!p0 [hbm4b:s6+s24], $0x80, v3, vm1, $0xb8;
	[tilespmem:$0x19000] =	vst v63  }
0x184: {  	s20 =	sadd.s32 $0x1, s20;
	s21 =	sadd.s32 @!p0 $0x4800, s21  }
0x185: {  	[tilespmem:s21], [sflag:s23] =	stream.indirect_vreg.gather @!p0 [hbm4b:s7+s24], $0x80, v3, vm1, $0xb8;
	[tilespmem:$0x19000] =	vst v63  }
0x186: {  	p0 =	sne.s32 s20, $0x20  }
.Ltmp1:
0x187: {  	_ = 	snop;
	(pc) =	sbr.rel @p0 .LBB2_2-.Ltmp1, $1  }
0x188: {  	_ =	sdelay $0x3  }
0x189: {  	_ =	swait.ge [sflag:s13], $0x4000  }
0x18a: {  	[sflag:s13] =	ssyncset.done $0x0  }
0x18b: {  	[sflag:s13] =	ssyncadd.s32 $0xFFFFC000  }
0x18c: {  	_ =	swait.ge [sflag:s14], $0x4000  }
0x18d: {  	[sflag:s14] =	ssyncset.done $0x0  }
0x18e: {  	[sflag:s14] =	ssyncadd.s32 $0xFFFFC000  }
0x18f: {  	_ =	swait.ge [sflag:s15], $0x4000  }
0x190: {  	[sflag:s15] =	ssyncset.done $0x0  }
0x191: {  	[sflag:s15] =	ssyncadd.s32 $0xFFFFC000  }
0x192: {  	_ =	swait.ge [sflag:s16], $0x4000  }
0x193: {  	[sflag:s16] =	ssyncset.done $0x0  }
0x194: {  	s19 =	sadd.s32 $0x1, s19;
	[sflag:s16] =	ssyncadd.s32 $0xFFFFC000  }
0x195: {  	p0 =	sne.s32 s19, s9;
	_ =	swait.ge [sflag:s17], $0x4000  }
.Ltmp2:
0x196: {  	[sflag:s17] =	ssyncset.done $0x0;
	(pc) =	sbr.rel @p0 .LBB2_1-.Ltmp2, $4  }
0x197: {  	[sflag:s17] =	ssyncadd.s32 $0xFFFFC000  }
0x198: {  	_ =	swait.ge [sflag:s18], $0x4000  }
0x199: {  	[sflag:s18] =	ssyncset.done $0x0  }
0x19a: {  	[sflag:s18] =	ssyncadd.s32 $0xFFFFC000  }
0x19b: {  	_ =	sfence.sel $0x180000  }
0x19c: {  	[bflag:$0x0] =	sbarrier.arrive $0xFFFF  }
0x19d: {  	_ =	strace $0x90000047  }
0x19e: {  	s0 =	stileid.u32;
	[bflag:$0x2] =	sbarrier.arrive $0xFFFF  }
0x19f: {  	p0 =	sne.s32 s0, $0x0;
	s0 =	rddreg [dreg:$0x3]  }
0x1a0: {  	s0 =	sadd.s32 @!p0 $0x100000, s0  }
0x1a1: {  	[sflag:s0] =	ssyncadd.tile.s32 @!p0 $0x1;
	_ =	shalt  }
.Lfunc_end2:
_tile_overlayer_lowered:
.L_overlay_start_2:
0x1a2: {  	(tag) =	ssettag $0x2  }
0x1a3: {  	s0 =	rddreg [dreg:$0x0];
	s2 =	stileid.u32  }
0x1a4: {  	s1 =	rddreg [dreg:$0x1];
	p0 =	sne.s32 s2, $0x0  }
0x1a5: {  	s3 =	rddreg [dreg:$0x2];
	[bflag:$0x3] =	sbarrier.arrive $0xFFFF;
	s2 =	simm.s32 @!p0 $0x1C0D  }
0x1a6: {  	[timem:s3], [sflag:s2] =	dma.local @!p0 [hbm:s0], s1  }
0x1a7: {  	s0 =	simm.s32 @!p0 $0xD  }
0x1a8: {  	_ =	swait.ge @!p0 [sflag:s0], s1  }
0x1a9: {  	s1 =	ssub.s32 @!p0 $0x0, s1;
	[sflag:s0] =	ssyncset.done @!p0 $0x0  }
0x1aa: {  	[sflag:s0] =	ssyncadd.s32 @!p0 s1  }
0x1ab: {  	[bflag:$0x3] =	sbarrier.arrive $0xFFFF  }
0x1ac: {  	_ =	shalt  }

</sc_bundles>
